<compile_context>
chip_gen: v7x
topology: tpu7x:2x2x1
jax: 0.10.2.dev20260603
libtpu: 0.0.44.dev20260713+nightly
codegen_flags: <defaults>
</compile_context>

<pallas_src>
import functools

import jax
import jax.numpy as jnp
from jax import lax
from jax.experimental import pallas as pl
from jax.experimental.pallas import tpu as pltpu
from jax.experimental.pallas import tpu_sc as plsc

VOCAB = 1000000
EMBED = 64
HIDDEN = 128
NOUT = 2
BATCH = 4096
SEQ = 200

NC = 2
NS = 16
NW = NC * NS
B_PER_W = BATCH // NW
CHUNK = 100
CHUNKS_PER_ITEM = SEQ // CHUNK
N_CHUNKS = B_PER_W * CHUNKS_PER_ITEM
NBUF = 4
N_OUTER = N_CHUNKS // NBUF
NLANE = 16
NVEC = EMBED // NLANE
HSPLIT = 512000


def _sc_gather_sum(xh, hoff, table2):
    mesh = plsc.VectorSubcoreMesh(core_axis_name="c", subcore_axis_name="s")

    @functools.partial(
        pl.kernel,
        mesh=mesh,
        out_type=jax.ShapeDtypeStruct((BATCH, EMBED), jnp.float32),
        compiler_params=pltpu.CompilerParams(use_tc_tiling_on_sc=False),
        scratch_types=(
            [pltpu.VMEM((N_CHUNKS, CHUNK), jnp.int32),
             pltpu.VMEM((B_PER_W, EMBED), jnp.float32)]
            + [pltpu.VMEM((CHUNK, 128), jnp.float32) for _ in range(NBUF)]
            + [pltpu.VMEM((CHUNK + NLANE,), jnp.int32) for _ in range(NBUF)]
            + [pltpu.SemaphoreType.DMA for _ in range(2 * NBUF)]
        ),
    )
    def k(xh_hbm, hoff_hbm, table_hbm, out_hbm, idx_v, out_v, *rest):
        bufs = rest[:NBUF]
        hbufs = rest[NBUF:2 * NBUF]
        sems = rest[2 * NBUF:3 * NBUF]
        hsems = rest[3 * NBUF:]
        lanes = lax.iota(jnp.int32, NLANE)
        wid = lax.axis_index("s") * NC + lax.axis_index("c")
        ibase = wid * N_CHUNKS
        obase = wid * B_PER_W

        pltpu.sync_copy(xh_hbm.at[pl.ds(ibase, N_CHUNKS)], idx_v)

        def fire(chunk, b):
            pltpu.async_copy(table_hbm.at[idx_v.at[chunk]], bufs[b], sems[b])
            pltpu.async_copy(hoff_hbm.at[ibase + chunk],
                             hbufs[b].at[pl.ds(0, CHUNK)], hsems[b])

        def wait(chunk, b):
            pltpu.make_async_copy(
                table_hbm.at[idx_v.at[chunk]], bufs[b], sems[b]).wait()
            pltpu.make_async_copy(
                hoff_hbm.at[ibase + chunk],
                hbufs[b].at[pl.ds(0, CHUNK)], hsems[b]).wait()

        for b in range(NBUF):
            fire(b, b)

        def accum(buf, hs, accs):
            def body(s, a):
                off = hs[pl.ds(s, NLANE)][0]
                return tuple(
                    a[c] + buf[s, pl.ds(off + c * NLANE, NLANE)]
                    for c in range(NVEC)
                )
            return lax.fori_loop(0, CHUNK, body, accs)

        def outer(t, carry):
            for pair in range(NBUF // CHUNKS_PER_ITEM):
                accs = tuple(
                    jnp.zeros((NLANE,), jnp.float32) for _ in range(NVEC)
                )
                for half in range(CHUNKS_PER_ITEM):
                    b = pair * CHUNKS_PER_ITEM + half
                    chunk = t * NBUF + b
                    wait(chunk, b)
                    accs = accum(bufs[b], hbufs[b], accs)

                    @pl.when(t < N_OUTER - 1)
                    def _fire():
                        fire(chunk + NBUF, b)

                item = t * (NBUF // CHUNKS_PER_ITEM) + pair
                for c in range(NVEC):
                    out_v[item, pl.ds(c * NLANE, NLANE)] = accs[c]
            return carry

        lax.fori_loop(0, N_OUTER, outer, 0)
        pltpu.sync_copy(out_v, out_hbm.at[pl.ds(obase, B_PER_W)])

    return k(xh, hoff, table2)


VBLK = 10240
FMT_GRID = HSPLIT // VBLK
LAST_BLK = -(-VOCAB // VBLK) - 1


def _fmt_body(ta_ref, tb_ref, out_ref):
    for q in range(VBLK // 128):
        a = ta_ref[:, pl.ds(128 * q, 128)].T
        b = tb_ref[:, pl.ds(128 * q, 128)].T
        out_ref[pl.ds(128 * q, 128), :] = jnp.concatenate([a, b], axis=1)


def _tc_format(tableT):
    return pl.pallas_call(
        _fmt_body,
        grid=(FMT_GRID,),
        in_specs=[
            pl.BlockSpec((EMBED, VBLK), lambda i: (0, i)),
            pl.BlockSpec(
                (EMBED, VBLK),
                lambda i: (0, jnp.minimum(i + FMT_GRID, LAST_BLK)),
            ),
        ],
        out_specs=pl.BlockSpec((VBLK, 2 * EMBED), lambda i: (i, 0)),
        out_shape=jax.ShapeDtypeStruct((HSPLIT, 2 * EMBED), jnp.float32),
        compiler_params=pltpu.CompilerParams(
            dimension_semantics=("parallel",)),
    )(tableT, tableT)


BM = 512
NOUT_PAD = 128


def _mlp_body(s_ref, w1_ref, b1_ref, w2_ref, b2_ref, o_ref):
    h = jnp.dot(s_ref[...] * (1.0 / SEQ), w1_ref[...],
                preferred_element_type=jnp.float32)
    h = jnp.maximum(h + b1_ref[...], 0.0)
    o_ref[...] = jnp.dot(h, w2_ref[...],
                         preferred_element_type=jnp.float32) + b2_ref[...]


def kernel(x, table, W1, b1, W2, b2):
    xi = x.astype(jnp.int32)
    hi = (xi >= HSPLIT).astype(jnp.int32)
    xh = (xi - hi * HSPLIT).reshape(BATCH * SEQ // CHUNK, CHUNK)
    hoff = (hi << 6).reshape(BATCH * SEQ // CHUNK, CHUNK)
    table2 = _tc_format(table.T)
    sums = _sc_gather_sum(xh, hoff, table2)

    w2p = jnp.zeros((HIDDEN, NOUT_PAD), W2.dtype).at[:, :NOUT].set(W2)
    b2p = jnp.zeros((1, NOUT_PAD), b2.dtype).at[0, :NOUT].set(b2)
    b1r = b1.reshape(1, HIDDEN)

    out = pl.pallas_call(
        _mlp_body,
        grid=(BATCH // BM,),
        in_specs=[
            pl.BlockSpec((BM, EMBED), lambda i: (i, 0)),
            pl.BlockSpec((EMBED, HIDDEN), lambda i: (0, 0)),
            pl.BlockSpec((1, HIDDEN), lambda i: (0, 0)),
            pl.BlockSpec((HIDDEN, NOUT_PAD), lambda i: (0, 0)),
            pl.BlockSpec((1, NOUT_PAD), lambda i: (0, 0)),
        ],
        out_specs=pl.BlockSpec((BM, NOUT_PAD), lambda i: (i, 0)),
        out_shape=jax.ShapeDtypeStruct((BATCH, NOUT_PAD), jnp.float32),
    )(sums, W1, b1r, w2p, b2p)
    return out[:, :NOUT]

# --- scband reference (transcript-rebuilt; emitter-appended) ---
"""Pipeline reference for scband-swem-54537494725087 (READ-ONLY COPY).

The authoritative reference and input builder live on the scoring server;
editing this copy changes nothing except your own understanding.
"""

import jax, jax.numpy as jnp
import numpy as np

VOCAB = 1000000
EMBED = 64
HIDDEN = 128
NOUT = 2
BATCH = 4096
SEQ = 200

def setup_inputs(seed: int = 0) -> dict:
    key = jax.random.key(seed)
    k_x, k_tab, k_w1, k_b1, k_w2, k_b2 = jax.random.split(key, 6)
    x = jax.random.randint(k_x, (BATCH, SEQ), 0, VOCAB, dtype=jnp.int64 if jax.config.jax_enable_x64 else jnp.int32)
    table = jax.random.normal(k_tab, (VOCAB, EMBED), dtype=jnp.float32)
    W1 = jax.random.normal(k_w1, (EMBED, HIDDEN), dtype=jnp.float32) * (1.0 / np.sqrt(EMBED))
    b1 = jax.random.normal(k_b1, (HIDDEN,), dtype=jnp.float32) * 0.01
    W2 = jax.random.normal(k_w2, (HIDDEN, NOUT), dtype=jnp.float32) * (1.0 / np.sqrt(HIDDEN))
    b2 = jax.random.normal(k_b2, (NOUT,), dtype=jnp.float32) * 0.01
    return {"x": x, "table": table, "W1": W1, "b1": b1, "W2": W2, "b2": b2}

def reference(x, table, W1, b1, W2, b2):
    embed = jnp.take(table, x, axis=0)           # [B, S, E] gather (embedding lookup)
    embed_mean = jnp.mean(embed, axis=1)         # [B, E]
    h = embed_mean @ W1 + b1                     # [B, H]
    h = jax.nn.relu(h)
    out = h @ W2 + b2                            # [B, NOUT]
    return out

if __name__ == "__main__":
    import jax
    _d = setup_inputs()
    print(jax.jit(kernel)(*tuple(_d.values())))

</pallas_src>

<mosaic_0001>
#map = affine_map<(d0, d1) -> (0, 0)>
module attributes {stable_mosaic.version = 14 : i64} {
  func.func @k(%arg0: i32, %arg1: i32, %arg2: memref<8192x100xi32, #tpu.memory_space<hbm>>, %arg3: memref<8192x100xi32, #tpu.memory_space<hbm>>, %arg4: memref<512000x128xf32, #tpu.memory_space<hbm>>, %arg5: memref<4096x64xf32, #tpu.memory_space<hbm>>, %arg6: memref<256x100xi32, #tpu.memory_space<vmem>>, %arg7: memref<128x64xf32, #tpu.memory_space<vmem>>, %arg8: memref<100x128xf32, #tpu.memory_space<vmem>>, %arg9: memref<100x128xf32, #tpu.memory_space<vmem>>, %arg10: memref<100x128xf32, #tpu.memory_space<vmem>>, %arg11: memref<100x128xf32, #tpu.memory_space<vmem>>, %arg12: memref<116xi32, #tpu.memory_space<vmem>>, %arg13: memref<116xi32, #tpu.memory_space<vmem>>, %arg14: memref<116xi32, #tpu.memory_space<vmem>>, %arg15: memref<116xi32, #tpu.memory_space<vmem>>, %arg16: memref<!tpu.dma_semaphore, #tpu.memory_space<semaphore_mem>>, %arg17: memref<!tpu.dma_semaphore, #tpu.memory_space<semaphore_mem>>, %arg18: memref<!tpu.dma_semaphore, #tpu.memory_space<semaphore_mem>>, %arg19: memref<!tpu.dma_semaphore, #tpu.memory_space<semaphore_mem>>, %arg20: memref<!tpu.dma_semaphore, #tpu.memory_space<semaphore_mem>>, %arg21: memref<!tpu.dma_semaphore, #tpu.memory_space<semaphore_mem>>, %arg22: memref<!tpu.dma_semaphore, #tpu.memory_space<semaphore_mem>>, %arg23: memref<!tpu.dma_semaphore, #tpu.memory_space<semaphore_mem>>) attributes {dimension_semantics = [#tpu.dimension_semantics<core_parallel>, #tpu.dimension_semantics<subcore_parallel>], iteration_bounds = array<i64: 2, 16>, scalar_prefetch = 0 : i64, scratch_operands = 18 : i64, tpu.core_type = #tpu.core_type<sc_vector_subcore>, window_params = [{transform_indices = #map}, {transform_indices = #map}, {transform_indices = #map}, {transform_indices = #map}]} {
    %iota3A = tpu.iota {dimensions = array<i32: 0>} : vector<16xi32>
    %mul3A = arith.constant 2 : i32
    %mul3A_0 = arith.muli %arg1, %mul3A : i32
    %add3A = arith.addi %mul3A_0, %arg0 : i32
    %mul3A_1 = arith.constant 256 : i32
    %mul3A_2 = arith.muli %add3A, %mul3A_1 : i32
    %mul3A_3 = arith.constant 128 : i32
    %mul3A_4 = arith.muli %add3A, %mul3A_3 : i32
    "tpu.region"() ({
      %run_scoped3A = tpu.sem_alloc : memref<!tpu.dma_semaphore, #tpu.memory_space<semaphore_mem>>
      %dma_start3A_85 = arith.constant 0 : i32
      %dma_start3A_86 = tpu.memref_slice %arg2[%mul3A_2, %dma_start3A_85] : memref<8192x100xi32, #tpu.memory_space<hbm>> -> memref<256x100xi32, #tpu.memory_space<hbm>>
      %dma_start3A_87 = arith.constant 0 : i32
      %dma_start3A_88 = tpu.memref_slice %arg2[%mul3A_2, %dma_start3A_87] : memref<8192x100xi32, #tpu.memory_space<hbm>> -> memref<256x100xi32, #tpu.memory_space<hbm>>
      tpu.enqueue_dma source(%dma_start3A_88 : memref<256x100xi32, #tpu.memory_space<hbm>>) target(%arg6 : memref<256x100xi32, #tpu.memory_space<vmem>>) target_semaphore(%run_scoped3A : memref<!tpu.dma_semaphore, #tpu.memory_space<semaphore_mem>>)
      %dma_wait3A = arith.constant 0 : i32
      %dma_wait3A_89 = tpu.memref_slice %arg2[%mul3A_2, %dma_wait3A] : memref<8192x100xi32, #tpu.memory_space<hbm>> -> memref<256x100xi32, #tpu.memory_space<hbm>>
      %dma_wait3A_90 = arith.constant 0 : i32
      %dma_wait3A_91 = tpu.memref_slice %arg2[%mul3A_2, %dma_wait3A_90] : memref<8192x100xi32, #tpu.memory_space<hbm>> -> memref<256x100xi32, #tpu.memory_space<hbm>>
      tpu.wait_dma2 semaphore(%run_scoped3A : memref<!tpu.dma_semaphore, #tpu.memory_space<semaphore_mem>>) src(%dma_wait3A_91 : memref<256x100xi32, #tpu.memory_space<hbm>>) dst(%arg6 : memref<256x100xi32, #tpu.memory_space<vmem>>)
      tpu.yield
    }) : () -> ()
    %dma_start3A = arith.constant 0 : i32
    %dma_start3A_5 = arith.constant 0 : i32
    %dma_start3A_6 = tpu.memref_slice %arg6[%dma_start3A, %dma_start3A_5] : memref<256x100xi32, #tpu.memory_space<vmem>> -> memref<1x100xi32, #tpu.memory_space<vmem>>
    %dma_start3A_7 = tpu.memref_squeeze %dma_start3A_6 : memref<1x100xi32, #tpu.memory_space<vmem>> -> memref<100xi32, #tpu.memory_space<vmem>>
    %dma_start3A_8 = arith.constant 0 : i32
    %dma_start3A_9 = arith.constant 0 : i32
    %dma_start3A_10 = tpu.memref_slice %arg4[%dma_start3A_8, %dma_start3A_9] : memref<512000x128xf32, #tpu.memory_space<hbm>> -> memref<512000x128xf32, #tpu.memory_space<hbm>>
    tpu.enqueue_indirect_dma source(%dma_start3A_10 : memref<512000x128xf32, #tpu.memory_space<hbm>>) target(%arg8 : memref<100x128xf32, #tpu.memory_space<vmem>>) offsets(%dma_start3A_7 : memref<100xi32, #tpu.memory_space<vmem>>) semaphore(%arg16 : memref<!tpu.dma_semaphore, #tpu.memory_space<semaphore_mem>>)
    %add3A_11 = arith.constant 0 : i32
    %add3A_12 = arith.addi %mul3A_2, %add3A_11 : i32
    %dma_start3A_13 = arith.constant 0 : i32
    %dma_start3A_14 = tpu.memref_slice %arg12[%dma_start3A_13] : memref<116xi32, #tpu.memory_space<vmem>> -> memref<100xi32, #tpu.memory_space<vmem>>
    %dma_start3A_15 = arith.constant 0 : i32
    %dma_start3A_16 = tpu.memref_slice %arg3[%add3A_12, %dma_start3A_15] : memref<8192x100xi32, #tpu.memory_space<hbm>> -> memref<1x100xi32, #tpu.memory_space<hbm>>
    %dma_start3A_17 = tpu.memref_squeeze %dma_start3A_16 : memref<1x100xi32, #tpu.memory_space<hbm>> -> memref<100xi32, #tpu.memory_space<hbm>>
    %dma_start3A_18 = arith.constant 0 : i32
    %dma_start3A_19 = tpu.memref_slice %arg12[%dma_start3A_18] : memref<116xi32, #tpu.memory_space<vmem>> -> memref<100xi32, #tpu.memory_space<vmem>>
    %dma_start3A_20 = arith.constant 0 : i32
    %dma_start3A_21 = tpu.memref_slice %arg3[%add3A_12, %dma_start3A_20] : memref<8192x100xi32, #tpu.memory_space<hbm>> -> memref<1x100xi32, #tpu.memory_space<hbm>>
    %dma_start3A_22 = tpu.memref_squeeze %dma_start3A_21 : memref<1x100xi32, #tpu.memory_space<hbm>> -> memref<100xi32, #tpu.memory_space<hbm>>
    tpu.enqueue_dma source(%dma_start3A_22 : memref<100xi32, #tpu.memory_space<hbm>>) target(%dma_start3A_19 : memref<100xi32, #tpu.memory_space<vmem>>) target_semaphore(%arg20 : memref<!tpu.dma_semaphore, #tpu.memory_space<semaphore_mem>>)
    %dma_start3A_23 = arith.constant 1 : i32
    %dma_start3A_24 = arith.constant 0 : i32
    %dma_start3A_25 = tpu.memref_slice %arg6[%dma_start3A_23, %dma_start3A_24] : memref<256x100xi32, #tpu.memory_space<vmem>> -> memref<1x100xi32, #tpu.memory_space<vmem>>
    %dma_start3A_26 = tpu.memref_squeeze %dma_start3A_25 : memref<1x100xi32, #tpu.memory_space<vmem>> -> memref<100xi32, #tpu.memory_space<vmem>>
    %dma_start3A_27 = arith.constant 0 : i32
    %dma_start3A_28 = arith.constant 0 : i32
    %dma_start3A_29 = tpu.memref_slice %arg4[%dma_start3A_27, %dma_start3A_28] : memref<512000x128xf32, #tpu.memory_space<hbm>> -> memref<512000x128xf32, #tpu.memory_space<hbm>>
    tpu.enqueue_indirect_dma source(%dma_start3A_29 : memref<512000x128xf32, #tpu.memory_space<hbm>>) target(%arg9 : memref<100x128xf32, #tpu.memory_space<vmem>>) offsets(%dma_start3A_26 : memref<100xi32, #tpu.memory_space<vmem>>) semaphore(%arg17 : memref<!tpu.dma_semaphore, #tpu.memory_space<semaphore_mem>>)
    %add3A_30 = arith.constant 1 : i32
    %add3A_31 = arith.addi %mul3A_2, %add3A_30 : i32
    %dma_start3A_32 = arith.constant 0 : i32
    %dma_start3A_33 = tpu.memref_slice %arg13[%dma_start3A_32] : memref<116xi32, #tpu.memory_space<vmem>> -> memref<100xi32, #tpu.memory_space<vmem>>
    %dma_start3A_34 = arith.constant 0 : i32
    %dma_start3A_35 = tpu.memref_slice %arg3[%add3A_31, %dma_start3A_34] : memref<8192x100xi32, #tpu.memory_space<hbm>> -> memref<1x100xi32, #tpu.memory_space<hbm>>
    %dma_start3A_36 = tpu.memref_squeeze %dma_start3A_35 : memref<1x100xi32, #tpu.memory_space<hbm>> -> memref<100xi32, #tpu.memory_space<hbm>>
    %dma_start3A_37 = arith.constant 0 : i32
    %dma_start3A_38 = tpu.memref_slice %arg13[%dma_start3A_37] : memref<116xi32, #tpu.memory_space<vmem>> -> memref<100xi32, #tpu.memory_space<vmem>>
    %dma_start3A_39 = arith.constant 0 : i32
    %dma_start3A_40 = tpu.memref_slice %arg3[%add3A_31, %dma_start3A_39] : memref<8192x100xi32, #tpu.memory_space<hbm>> -> memref<1x100xi32, #tpu.memory_space<hbm>>
    %dma_start3A_41 = tpu.memref_squeeze %dma_start3A_40 : memref<1x100xi32, #tpu.memory_space<hbm>> -> memref<100xi32, #tpu.memory_space<hbm>>
    tpu.enqueue_dma source(%dma_start3A_41 : memref<100xi32, #tpu.memory_space<hbm>>) target(%dma_start3A_38 : memref<100xi32, #tpu.memory_space<vmem>>) target_semaphore(%arg21 : memref<!tpu.dma_semaphore, #tpu.memory_space<semaphore_mem>>)
    %dma_start3A_42 = arith.constant 2 : i32
    %dma_start3A_43 = arith.constant 0 : i32
    %dma_start3A_44 = tpu.memref_slice %arg6[%dma_start3A_42, %dma_start3A_43] : memref<256x100xi32, #tpu.memory_space<vmem>> -> memref<1x100xi32, #tpu.memory_space<vmem>>
    %dma_start3A_45 = tpu.memref_squeeze %dma_start3A_44 : memref<1x100xi32, #tpu.memory_space<vmem>> -> memref<100xi32, #tpu.memory_space<vmem>>
    %dma_start3A_46 = arith.constant 0 : i32
    %dma_start3A_47 = arith.constant 0 : i32
    %dma_start3A_48 = tpu.memref_slice %arg4[%dma_start3A_46, %dma_start3A_47] : memref<512000x128xf32, #tpu.memory_space<hbm>> -> memref<512000x128xf32, #tpu.memory_space<hbm>>
    tpu.enqueue_indirect_dma source(%dma_start3A_48 : memref<512000x128xf32, #tpu.memory_space<hbm>>) target(%arg10 : memref<100x128xf32, #tpu.memory_space<vmem>>) offsets(%dma_start3A_45 : memref<100xi32, #tpu.memory_space<vmem>>) semaphore(%arg18 : memref<!tpu.dma_semaphore, #tpu.memory_space<semaphore_mem>>)
    %add3A_49 = arith.constant 2 : i32
    %add3A_50 = arith.addi %mul3A_2, %add3A_49 : i32
    %dma_start3A_51 = arith.constant 0 : i32
    %dma_start3A_52 = tpu.memref_slice %arg14[%dma_start3A_51] : memref<116xi32, #tpu.memory_space<vmem>> -> memref<100xi32, #tpu.memory_space<vmem>>
    %dma_start3A_53 = arith.constant 0 : i32
    %dma_start3A_54 = tpu.memref_slice %arg3[%add3A_50, %dma_start3A_53] : memref<8192x100xi32, #tpu.memory_space<hbm>> -> memref<1x100xi32, #tpu.memory_space<hbm>>
    %dma_start3A_55 = tpu.memref_squeeze %dma_start3A_54 : memref<1x100xi32, #tpu.memory_space<hbm>> -> memref<100xi32, #tpu.memory_space<hbm>>
    %dma_start3A_56 = arith.constant 0 : i32
    %dma_start3A_57 = tpu.memref_slice %arg14[%dma_start3A_56] : memref<116xi32, #tpu.memory_space<vmem>> -> memref<100xi32, #tpu.memory_space<vmem>>
    %dma_start3A_58 = arith.constant 0 : i32
    %dma_start3A_59 = tpu.memref_slice %arg3[%add3A_50, %dma_start3A_58] : memref<8192x100xi32, #tpu.memory_space<hbm>> -> memref<1x100xi32, #tpu.memory_space<hbm>>
    %dma_start3A_60 = tpu.memref_squeeze %dma_start3A_59 : memref<1x100xi32, #tpu.memory_space<hbm>> -> memref<100xi32, #tpu.memory_space<hbm>>
    tpu.enqueue_dma source(%dma_start3A_60 : memref<100xi32, #tpu.memory_space<hbm>>) target(%dma_start3A_57 : memref<100xi32, #tpu.memory_space<vmem>>) target_semaphore(%arg22 : memref<!tpu.dma_semaphore, #tpu.memory_space<semaphore_mem>>)
    %dma_start3A_61 = arith.constant 3 : i32
    %dma_start3A_62 = arith.constant 0 : i32
    %dma_start3A_63 = tpu.memref_slice %arg6[%dma_start3A_61, %dma_start3A_62] : memref<256x100xi32, #tpu.memory_space<vmem>> -> memref<1x100xi32, #tpu.memory_space<vmem>>
    %dma_start3A_64 = tpu.memref_squeeze %dma_start3A_63 : memref<1x100xi32, #tpu.memory_space<vmem>> -> memref<100xi32, #tpu.memory_space<vmem>>
    %dma_start3A_65 = arith.constant 0 : i32
    %dma_start3A_66 = arith.constant 0 : i32
    %dma_start3A_67 = tpu.memref_slice %arg4[%dma_start3A_65, %dma_start3A_66] : memref<512000x128xf32, #tpu.memory_space<hbm>> -> memref<512000x128xf32, #tpu.memory_space<hbm>>
    tpu.enqueue_indirect_dma source(%dma_start3A_67 : memref<512000x128xf32, #tpu.memory_space<hbm>>) target(%arg11 : memref<100x128xf32, #tpu.memory_space<vmem>>) offsets(%dma_start3A_64 : memref<100xi32, #tpu.memory_space<vmem>>) semaphore(%arg19 : memref<!tpu.dma_semaphore, #tpu.memory_space<semaphore_mem>>)
    %add3A_68 = arith.constant 3 : i32
    %add3A_69 = arith.addi %mul3A_2, %add3A_68 : i32
    %dma_start3A_70 = arith.constant 0 : i32
    %dma_start3A_71 = tpu.memref_slice %arg15[%dma_start3A_70] : memref<116xi32, #tpu.memory_space<vmem>> -> memref<100xi32, #tpu.memory_space<vmem>>
    %dma_start3A_72 = arith.constant 0 : i32
    %dma_start3A_73 = tpu.memref_slice %arg3[%add3A_69, %dma_start3A_72] : memref<8192x100xi32, #tpu.memory_space<hbm>> -> memref<1x100xi32, #tpu.memory_space<hbm>>
    %dma_start3A_74 = tpu.memref_squeeze %dma_start3A_73 : memref<1x100xi32, #tpu.memory_space<hbm>> -> memref<100xi32, #tpu.memory_space<hbm>>
    %dma_start3A_75 = arith.constant 0 : i32
    %dma_start3A_76 = tpu.memref_slice %arg15[%dma_start3A_75] : memref<116xi32, #tpu.memory_space<vmem>> -> memref<100xi32, #tpu.memory_space<vmem>>
    %dma_start3A_77 = arith.constant 0 : i32
    %dma_start3A_78 = tpu.memref_slice %arg3[%add3A_69, %dma_start3A_77] : memref<8192x100xi32, #tpu.memory_space<hbm>> -> memref<1x100xi32, #tpu.memory_space<hbm>>
    %dma_start3A_79 = tpu.memref_squeeze %dma_start3A_78 : memref<1x100xi32, #tpu.memory_space<hbm>> -> memref<100xi32, #tpu.memory_space<hbm>>
    tpu.enqueue_dma source(%dma_start3A_79 : memref<100xi32, #tpu.memory_space<hbm>>) target(%dma_start3A_76 : memref<100xi32, #tpu.memory_space<vmem>>) target_semaphore(%arg23 : memref<!tpu.dma_semaphore, #tpu.memory_space<semaphore_mem>>)
    %scan3A = arith.constant 0 : i32
    %scan3A_80 = arith.constant 0 : i32
    %scan3A_81 = arith.constant 64 : i32
    %scan3A_82 = arith.addi %scan3A_80, %scan3A_81 : i32
    %scan3A_83 = arith.constant 1 : i32
    scf.for %scan3A_85 = %scan3A_80 to %scan3A_82 step %scan3A_83  : i32 {
      %broadcast_in_dim3A = arith.constant 0.000000e+00 : f32
      %broadcast_in_dim3A_86 = vector.broadcast %broadcast_in_dim3A : f32 to vector<16xf32>
      %broadcast_in_dim3A_87 = arith.constant 0.000000e+00 : f32
      %broadcast_in_dim3A_88 = vector.broadcast %broadcast_in_dim3A_87 : f32 to vector<16xf32>
      %broadcast_in_dim3A_89 = arith.constant 0.000000e+00 : f32
      %broadcast_in_dim3A_90 = vector.broadcast %broadcast_in_dim3A_89 : f32 to vector<16xf32>
      %broadcast_in_dim3A_91 = arith.constant 0.000000e+00 : f32
      %broadcast_in_dim3A_92 = vector.broadcast %broadcast_in_dim3A_91 : f32 to vector<16xf32>
      %mul3A_93 = arith.constant 4 : i32
      %mul3A_94 = arith.muli %scan3A_85, %mul3A_93 : i32
      %add3A_95 = arith.constant 0 : i32
      %add3A_96 = arith.addi %mul3A_94, %add3A_95 : i32
      %dma_wait3A = arith.constant 0 : i32
      %dma_wait3A_97 = tpu.memref_slice %arg6[%add3A_96, %dma_wait3A] : memref<256x100xi32, #tpu.memory_space<vmem>> -> memref<1x100xi32, #tpu.memory_space<vmem>>
      %dma_wait3A_98 = tpu.memref_squeeze %dma_wait3A_97 : memref<1x100xi32, #tpu.memory_space<vmem>> -> memref<100xi32, #tpu.memory_space<vmem>>
      %dma_wait3A_99 = arith.constant 0 : i32
      %dma_wait3A_100 = arith.constant 0 : i32
      %dma_wait3A_101 = tpu.memref_slice %arg4[%dma_wait3A_99, %dma_wait3A_100] : memref<512000x128xf32, #tpu.memory_space<hbm>> -> memref<512000x128xf32, #tpu.memory_space<hbm>>
      tpu.wait_indirect_dma semaphore(%arg16 : memref<!tpu.dma_semaphore, #tpu.memory_space<semaphore_mem>>) src(%dma_wait3A_101 : memref<512000x128xf32, #tpu.memory_space<hbm>>) dst(%arg8 : memref<100x128xf32, #tpu.memory_space<vmem>>)
      %add3A_102 = arith.addi %mul3A_2, %add3A_96 : i32
      %dma_wait3A_103 = arith.constant 0 : i32
      %dma_wait3A_104 = tpu.memref_slice %arg12[%dma_wait3A_103] : memref<116xi32, #tpu.memory_space<vmem>> -> memref<100xi32, #tpu.memory_space<vmem>>
      %dma_wait3A_105 = arith.constant 0 : i32
      %dma_wait3A_106 = tpu.memref_slice %arg3[%add3A_102, %dma_wait3A_105] : memref<8192x100xi32, #tpu.memory_space<hbm>> -> memref<1x100xi32, #tpu.memory_space<hbm>>
      %dma_wait3A_107 = tpu.memref_squeeze %dma_wait3A_106 : memref<1x100xi32, #tpu.memory_space<hbm>> -> memref<100xi32, #tpu.memory_space<hbm>>
      %dma_wait3A_108 = arith.constant 0 : i32
      %dma_wait3A_109 = tpu.memref_slice %arg12[%dma_wait3A_108] : memref<116xi32, #tpu.memory_space<vmem>> -> memref<100xi32, #tpu.memory_space<vmem>>
      %dma_wait3A_110 = arith.constant 0 : i32
      %dma_wait3A_111 = tpu.memref_slice %arg3[%add3A_102, %dma_wait3A_110] : memref<8192x100xi32, #tpu.memory_space<hbm>> -> memref<1x100xi32, #tpu.memory_space<hbm>>
      %dma_wait3A_112 = tpu.memref_squeeze %dma_wait3A_111 : memref<1x100xi32, #tpu.memory_space<hbm>> -> memref<100xi32, #tpu.memory_space<hbm>>
      tpu.wait_dma2 semaphore(%arg20 : memref<!tpu.dma_semaphore, #tpu.memory_space<semaphore_mem>>) src(%dma_wait3A_112 : memref<100xi32, #tpu.memory_space<hbm>>) dst(%dma_wait3A_109 : memref<100xi32, #tpu.memory_space<vmem>>)
      %scan3A_113 = arith.constant 0 : i32
      %scan3A_114 = arith.constant 100 : i32
      %scan3A_115 = arith.addi %scan3A_113, %scan3A_114 : i32
      %scan3A_116 = arith.constant 1 : i32
      %scan3A_117:4 = scf.for %scan3A_272 = %scan3A_113 to %scan3A_115 step %scan3A_116 iter_args(%scan3A_273 = %broadcast_in_dim3A_86, %scan3A_274 = %broadcast_in_dim3A_88, %scan3A_275 = %broadcast_in_dim3A_90, %scan3A_276 = %broadcast_in_dim3A_92) -> (vector<16xf32>, vector<16xf32>, vector<16xf32>, vector<16xf32>)  : i32 {
        %get3A = arith.index_cast %scan3A_272 : i32 to index
        %get3A_277 = tpu.vector_load %arg12[%get3A] {strides = array<i32>} : memref<116xi32, #tpu.memory_space<vmem>>, vector<16xi32>,
        %get3A_278 = vector.shape_cast %get3A_277 : vector<16xi32> to vector<16xi32>
        %slice3A = vector.extract_strided_slice %get3A_278 {offsets = [0], sizes = [1], strides = [1]} : vector<16xi32> to vector<1xi32>
        %squeeze3A = vector.extract %slice3A[0] : i32 from vector<1xi32>
        %add3A_279 = arith.constant 0 : i32
        %add3A_280 = arith.addi %squeeze3A, %add3A_279 : i32
        %get3A_281 = arith.index_cast %scan3A_272 : i32 to index
        %get3A_282 = arith.index_cast %add3A_280 : i32 to index
        %get3A_283 = tpu.vector_load %arg8[%get3A_281, %get3A_282] {strides = array<i32>} : memref<100x128xf32, #tpu.memory_space<vmem>>, vector<1x16xf32>,
        %get3A_284 = vector.shape_cast %get3A_283 : vector<1x16xf32> to vector<16xf32>
        %add3A_285 = arith.addf %scan3A_273, %get3A_284 : vector<16xf32>
        %add3A_286 = arith.constant 16 : i32
        %add3A_287 = arith.addi %squeeze3A, %add3A_286 : i32
        %get3A_288 = arith.index_cast %scan3A_272 : i32 to index
        %get3A_289 = arith.index_cast %add3A_287 : i32 to index
        %get3A_290 = tpu.vector_load %arg8[%get3A_288, %get3A_289] {strides = array<i32>} : memref<100x128xf32, #tpu.memory_space<vmem>>, vector<1x16xf32>,
        %get3A_291 = vector.shape_cast %get3A_290 : vector<1x16xf32> to vector<16xf32>
        %add3A_292 = arith.addf %scan3A_274, %get3A_291 : vector<16xf32>
        %add3A_293 = arith.constant 32 : i32
        %add3A_294 = arith.addi %squeeze3A, %add3A_293 : i32
        %get3A_295 = arith.index_cast %scan3A_272 : i32 to index
        %get3A_296 = arith.index_cast %add3A_294 : i32 to index
        %get3A_297 = tpu.vector_load %arg8[%get3A_295, %get3A_296] {strides = array<i32>} : memref<100x128xf32, #tpu.memory_space<vmem>>, vector<1x16xf32>,
        %get3A_298 = vector.shape_cast %get3A_297 : vector<1x16xf32> to vector<16xf32>
        %add3A_299 = arith.addf %scan3A_275, %get3A_298 : vector<16xf32>
        %add3A_300 = arith.constant 48 : i32
        %add3A_301 = arith.addi %squeeze3A, %add3A_300 : i32
        %get3A_302 = arith.index_cast %scan3A_272 : i32 to index
        %get3A_303 = arith.index_cast %add3A_301 : i32 to index
        %get3A_304 = tpu.vector_load %arg8[%get3A_302, %get3A_303] {strides = array<i32>} : memref<100x128xf32, #tpu.memory_space<vmem>>, vector<1x16xf32>,
        %get3A_305 = vector.shape_cast %get3A_304 : vector<1x16xf32> to vector<16xf32>
        %add3A_306 = arith.addf %scan3A_276, %get3A_305 : vector<16xf32>
        scf.yield %add3A_285, %add3A_292, %add3A_299, %add3A_306 : vector<16xf32>, vector<16xf32>, vector<16xf32>, vector<16xf32>
      }
      %scan3A_118 = arith.constant 100 : i32
      %lt3A = arith.constant 63 : i32
      %lt3A_119 = arith.cmpi slt, %scan3A_85, %lt3A : i32
      %convert_element_type3A = arith.extui %lt3A_119 : i1 to i32
      %cond3A = arith.constant 0 : i32
      %cond3A_120 = arith.cmpi ne, %convert_element_type3A, %cond3A : i32
      scf.if %cond3A_120 {
        %add3A_272 = arith.constant 4 : i32
        %add3A_273 = arith.addi %add3A_96, %add3A_272 : i32
        %dma_start3A_274 = arith.constant 0 : i32
        %dma_start3A_275 = tpu.memref_slice %arg6[%add3A_273, %dma_start3A_274] : memref<256x100xi32, #tpu.memory_space<vmem>> -> memref<1x100xi32, #tpu.memory_space<vmem>>
        %dma_start3A_276 = tpu.memref_squeeze %dma_start3A_275 : memref<1x100xi32, #tpu.memory_space<vmem>> -> memref<100xi32, #tpu.memory_space<vmem>>
        %dma_start3A_277 = arith.constant 0 : i32
        %dma_start3A_278 = arith.constant 0 : i32
        %dma_start3A_279 = tpu.memref_slice %arg4[%dma_start3A_277, %dma_start3A_278] : memref<512000x128xf32, #tpu.memory_space<hbm>> -> memref<512000x128xf32, #tpu.memory_space<hbm>>
        tpu.enqueue_indirect_dma source(%dma_start3A_279 : memref<512000x128xf32, #tpu.memory_space<hbm>>) target(%arg8 : memref<100x128xf32, #tpu.memory_space<vmem>>) offsets(%dma_start3A_276 : memref<100xi32, #tpu.memory_space<vmem>>) semaphore(%arg16 : memref<!tpu.dma_semaphore, #tpu.memory_space<semaphore_mem>>)
        %add3A_280 = arith.addi %mul3A_2, %add3A_273 : i32
        %dma_start3A_281 = arith.constant 0 : i32
        %dma_start3A_282 = tpu.memref_slice %arg12[%dma_start3A_281] : memref<116xi32, #tpu.memory_space<vmem>> -> memref<100xi32, #tpu.memory_space<vmem>>
        %dma_start3A_283 = arith.constant 0 : i32
        %dma_start3A_284 = tpu.memref_slice %arg3[%add3A_280, %dma_start3A_283] : memref<8192x100xi32, #tpu.memory_space<hbm>> -> memref<1x100xi32, #tpu.memory_space<hbm>>
        %dma_start3A_285 = tpu.memref_squeeze %dma_start3A_284 : memref<1x100xi32, #tpu.memory_space<hbm>> -> memref<100xi32, #tpu.memory_space<hbm>>
        %dma_start3A_286 = arith.constant 0 : i32
        %dma_start3A_287 = tpu.memref_slice %arg12[%dma_start3A_286] : memref<116xi32, #tpu.memory_space<vmem>> -> memref<100xi32, #tpu.memory_space<vmem>>
        %dma_start3A_288 = arith.constant 0 : i32
        %dma_start3A_289 = tpu.memref_slice %arg3[%add3A_280, %dma_start3A_288] : memref<8192x100xi32, #tpu.memory_space<hbm>> -> memref<1x100xi32, #tpu.memory_space<hbm>>
        %dma_start3A_290 = tpu.memref_squeeze %dma_start3A_289 : memref<1x100xi32, #tpu.memory_space<hbm>> -> memref<100xi32, #tpu.memory_space<hbm>>
        tpu.enqueue_dma source(%dma_start3A_290 : memref<100xi32, #tpu.memory_space<hbm>>) target(%dma_start3A_287 : memref<100xi32, #tpu.memory_space<vmem>>) target_semaphore(%arg20 : memref<!tpu.dma_semaphore, #tpu.memory_space<semaphore_mem>>)
      } else {
      }
      %mul3A_121 = arith.constant 4 : i32
      %mul3A_122 = arith.muli %scan3A_85, %mul3A_121 : i32
      %add3A_123 = arith.constant 1 : i32
      %add3A_124 = arith.addi %mul3A_122, %add3A_123 : i32
      %dma_wait3A_125 = arith.constant 0 : i32
      %dma_wait3A_126 = tpu.memref_slice %arg6[%add3A_124, %dma_wait3A_125] : memref<256x100xi32, #tpu.memory_space<vmem>> -> memref<1x100xi32, #tpu.memory_space<vmem>>
      %dma_wait3A_127 = tpu.memref_squeeze %dma_wait3A_126 : memref<1x100xi32, #tpu.memory_space<vmem>> -> memref<100xi32, #tpu.memory_space<vmem>>
      %dma_wait3A_128 = arith.constant 0 : i32
      %dma_wait3A_129 = arith.constant 0 : i32
      %dma_wait3A_130 = tpu.memref_slice %arg4[%dma_wait3A_128, %dma_wait3A_129] : memref<512000x128xf32, #tpu.memory_space<hbm>> -> memref<512000x128xf32, #tpu.memory_space<hbm>>
      tpu.wait_indirect_dma semaphore(%arg17 : memref<!tpu.dma_semaphore, #tpu.memory_space<semaphore_mem>>) src(%dma_wait3A_130 : memref<512000x128xf32, #tpu.memory_space<hbm>>) dst(%arg9 : memref<100x128xf32, #tpu.memory_space<vmem>>)
      %add3A_131 = arith.addi %mul3A_2, %add3A_124 : i32
      %dma_wait3A_132 = arith.constant 0 : i32
      %dma_wait3A_133 = tpu.memref_slice %arg13[%dma_wait3A_132] : memref<116xi32, #tpu.memory_space<vmem>> -> memref<100xi32, #tpu.memory_space<vmem>>
      %dma_wait3A_134 = arith.constant 0 : i32
      %dma_wait3A_135 = tpu.memref_slice %arg3[%add3A_131, %dma_wait3A_134] : memref<8192x100xi32, #tpu.memory_space<hbm>> -> memref<1x100xi32, #tpu.memory_space<hbm>>
      %dma_wait3A_136 = tpu.memref_squeeze %dma_wait3A_135 : memref<1x100xi32, #tpu.memory_space<hbm>> -> memref<100xi32, #tpu.memory_space<hbm>>
      %dma_wait3A_137 = arith.constant 0 : i32
      %dma_wait3A_138 = tpu.memref_slice %arg13[%dma_wait3A_137] : memref<116xi32, #tpu.memory_space<vmem>> -> memref<100xi32, #tpu.memory_space<vmem>>
      %dma_wait3A_139 = arith.constant 0 : i32
      %dma_wait3A_140 = tpu.memref_slice %arg3[%add3A_131, %dma_wait3A_139] : memref<8192x100xi32, #tpu.memory_space<hbm>> -> memref<1x100xi32, #tpu.memory_space<hbm>>
      %dma_wait3A_141 = tpu.memref_squeeze %dma_wait3A_140 : memref<1x100xi32, #tpu.memory_space<hbm>> -> memref<100xi32, #tpu.memory_space<hbm>>
      tpu.wait_dma2 semaphore(%arg21 : memref<!tpu.dma_semaphore, #tpu.memory_space<semaphore_mem>>) src(%dma_wait3A_141 : memref<100xi32, #tpu.memory_space<hbm>>) dst(%dma_wait3A_138 : memref<100xi32, #tpu.memory_space<vmem>>)
      %scan3A_142 = arith.constant 0 : i32
      %scan3A_143 = arith.constant 100 : i32
      %scan3A_144 = arith.addi %scan3A_142, %scan3A_143 : i32
      %scan3A_145 = arith.constant 1 : i32
      %scan3A_146:4 = scf.for %scan3A_272 = %scan3A_142 to %scan3A_144 step %scan3A_145 iter_args(%scan3A_273 = %scan3A_117#0, %scan3A_274 = %scan3A_117#1, %scan3A_275 = %scan3A_117#2, %scan3A_276 = %scan3A_117#3) -> (vector<16xf32>, vector<16xf32>, vector<16xf32>, vector<16xf32>)  : i32 {
        %get3A = arith.index_cast %scan3A_272 : i32 to index
        %get3A_277 = tpu.vector_load %arg13[%get3A] {strides = array<i32>} : memref<116xi32, #tpu.memory_space<vmem>>, vector<16xi32>,
        %get3A_278 = vector.shape_cast %get3A_277 : vector<16xi32> to vector<16xi32>
        %slice3A = vector.extract_strided_slice %get3A_278 {offsets = [0], sizes = [1], strides = [1]} : vector<16xi32> to vector<1xi32>
        %squeeze3A = vector.extract %slice3A[0] : i32 from vector<1xi32>
        %add3A_279 = arith.constant 0 : i32
        %add3A_280 = arith.addi %squeeze3A, %add3A_279 : i32
        %get3A_281 = arith.index_cast %scan3A_272 : i32 to index
        %get3A_282 = arith.index_cast %add3A_280 : i32 to index
        %get3A_283 = tpu.vector_load %arg9[%get3A_281, %get3A_282] {strides = array<i32>} : memref<100x128xf32, #tpu.memory_space<vmem>>, vector<1x16xf32>,
        %get3A_284 = vector.shape_cast %get3A_283 : vector<1x16xf32> to vector<16xf32>
        %add3A_285 = arith.addf %scan3A_273, %get3A_284 : vector<16xf32>
        %add3A_286 = arith.constant 16 : i32
        %add3A_287 = arith.addi %squeeze3A, %add3A_286 : i32
        %get3A_288 = arith.index_cast %scan3A_272 : i32 to index
        %get3A_289 = arith.index_cast %add3A_287 : i32 to index
        %get3A_290 = tpu.vector_load %arg9[%get3A_288, %get3A_289] {strides = array<i32>} : memref<100x128xf32, #tpu.memory_space<vmem>>, vector<1x16xf32>,
        %get3A_291 = vector.shape_cast %get3A_290 : vector<1x16xf32> to vector<16xf32>
        %add3A_292 = arith.addf %scan3A_274, %get3A_291 : vector<16xf32>
        %add3A_293 = arith.constant 32 : i32
        %add3A_294 = arith.addi %squeeze3A, %add3A_293 : i32
        %get3A_295 = arith.index_cast %scan3A_272 : i32 to index
        %get3A_296 = arith.index_cast %add3A_294 : i32 to index
        %get3A_297 = tpu.vector_load %arg9[%get3A_295, %get3A_296] {strides = array<i32>} : memref<100x128xf32, #tpu.memory_space<vmem>>, vector<1x16xf32>,
        %get3A_298 = vector.shape_cast %get3A_297 : vector<1x16xf32> to vector<16xf32>
        %add3A_299 = arith.addf %scan3A_275, %get3A_298 : vector<16xf32>
        %add3A_300 = arith.constant 48 : i32
        %add3A_301 = arith.addi %squeeze3A, %add3A_300 : i32
        %get3A_302 = arith.index_cast %scan3A_272 : i32 to index
        %get3A_303 = arith.index_cast %add3A_301 : i32 to index
        %get3A_304 = tpu.vector_load %arg9[%get3A_302, %get3A_303] {strides = array<i32>} : memref<100x128xf32, #tpu.memory_space<vmem>>, vector<1x16xf32>,
        %get3A_305 = vector.shape_cast %get3A_304 : vector<1x16xf32> to vector<16xf32>
        %add3A_306 = arith.addf %scan3A_276, %get3A_305 : vector<16xf32>
        scf.yield %add3A_285, %add3A_292, %add3A_299, %add3A_306 : vector<16xf32>, vector<16xf32>, vector<16xf32>, vector<16xf32>
      }
      %scan3A_147 = arith.constant 100 : i32
      %lt3A_148 = arith.constant 63 : i32
      %lt3A_149 = arith.cmpi slt, %scan3A_85, %lt3A_148 : i32
      %convert_element_type3A_150 = arith.extui %lt3A_149 : i1 to i32
      %cond3A_151 = arith.constant 0 : i32
      %cond3A_152 = arith.cmpi ne, %convert_element_type3A_150, %cond3A_151 : i32
      scf.if %cond3A_152 {
        %add3A_272 = arith.constant 4 : i32
        %add3A_273 = arith.addi %add3A_124, %add3A_272 : i32
        %dma_start3A_274 = arith.constant 0 : i32
        %dma_start3A_275 = tpu.memref_slice %arg6[%add3A_273, %dma_start3A_274] : memref<256x100xi32, #tpu.memory_space<vmem>> -> memref<1x100xi32, #tpu.memory_space<vmem>>
        %dma_start3A_276 = tpu.memref_squeeze %dma_start3A_275 : memref<1x100xi32, #tpu.memory_space<vmem>> -> memref<100xi32, #tpu.memory_space<vmem>>
        %dma_start3A_277 = arith.constant 0 : i32
        %dma_start3A_278 = arith.constant 0 : i32
        %dma_start3A_279 = tpu.memref_slice %arg4[%dma_start3A_277, %dma_start3A_278] : memref<512000x128xf32, #tpu.memory_space<hbm>> -> memref<512000x128xf32, #tpu.memory_space<hbm>>
        tpu.enqueue_indirect_dma source(%dma_start3A_279 : memref<512000x128xf32, #tpu.memory_space<hbm>>) target(%arg9 : memref<100x128xf32, #tpu.memory_space<vmem>>) offsets(%dma_start3A_276 : memref<100xi32, #tpu.memory_space<vmem>>) semaphore(%arg17 : memref<!tpu.dma_semaphore, #tpu.memory_space<semaphore_mem>>)
        %add3A_280 = arith.addi %mul3A_2, %add3A_273 : i32
        %dma_start3A_281 = arith.constant 0 : i32
        %dma_start3A_282 = tpu.memref_slice %arg13[%dma_start3A_281] : memref<116xi32, #tpu.memory_space<vmem>> -> memref<100xi32, #tpu.memory_space<vmem>>
        %dma_start3A_283 = arith.constant 0 : i32
        %dma_start3A_284 = tpu.memref_slice %arg3[%add3A_280, %dma_start3A_283] : memref<8192x100xi32, #tpu.memory_space<hbm>> -> memref<1x100xi32, #tpu.memory_space<hbm>>
        %dma_start3A_285 = tpu.memref_squeeze %dma_start3A_284 : memref<1x100xi32, #tpu.memory_space<hbm>> -> memref<100xi32, #tpu.memory_space<hbm>>
        %dma_start3A_286 = arith.constant 0 : i32
        %dma_start3A_287 = tpu.memref_slice %arg13[%dma_start3A_286] : memref<116xi32, #tpu.memory_space<vmem>> -> memref<100xi32, #tpu.memory_space<vmem>>
        %dma_start3A_288 = arith.constant 0 : i32
        %dma_start3A_289 = tpu.memref_slice %arg3[%add3A_280, %dma_start3A_288] : memref<8192x100xi32, #tpu.memory_space<hbm>> -> memref<1x100xi32, #tpu.memory_space<hbm>>
        %dma_start3A_290 = tpu.memref_squeeze %dma_start3A_289 : memref<1x100xi32, #tpu.memory_space<hbm>> -> memref<100xi32, #tpu.memory_space<hbm>>
        tpu.enqueue_dma source(%dma_start3A_290 : memref<100xi32, #tpu.memory_space<hbm>>) target(%dma_start3A_287 : memref<100xi32, #tpu.memory_space<vmem>>) target_semaphore(%arg21 : memref<!tpu.dma_semaphore, #tpu.memory_space<semaphore_mem>>)
      } else {
      }
      %mul3A_153 = arith.constant 2 : i32
      %mul3A_154 = arith.muli %scan3A_85, %mul3A_153 : i32
      %add3A_155 = arith.constant 0 : i32
      %add3A_156 = arith.addi %mul3A_154, %add3A_155 : i32
      %swap3A = arith.index_cast %add3A_156 : i32 to index
      %swap3A_157 = arith.constant 0 : index
      %swap3A_158 = tpu.vector_load %arg7[%swap3A, %swap3A_157] {strides = array<i32>} : memref<128x64xf32, #tpu.memory_space<vmem>>, vector<1x16xf32>,
      %swap3A_159 = vector.shape_cast %swap3A_158 : vector<1x16xf32> to vector<16xf32>
      %swap3A_160 = vector.shape_cast %scan3A_146#0 : vector<16xf32> to vector<1x16xf32>
      tpu.vector_store %arg7[%swap3A, %swap3A_157], %swap3A_160 {strides = array<i32>} : memref<128x64xf32, #tpu.memory_space<vmem>>, vector<1x16xf32>,
      %swap3A_161 = arith.index_cast %add3A_156 : i32 to index
      %swap3A_162 = arith.constant 16 : index
      %swap3A_163 = tpu.vector_load %arg7[%swap3A_161, %swap3A_162] {strides = array<i32>} : memref<128x64xf32, #tpu.memory_space<vmem>>, vector<1x16xf32>,
      %swap3A_164 = vector.shape_cast %swap3A_163 : vector<1x16xf32> to vector<16xf32>
      %swap3A_165 = vector.shape_cast %scan3A_146#1 : vector<16xf32> to vector<1x16xf32>
      tpu.vector_store %arg7[%swap3A_161, %swap3A_162], %swap3A_165 {strides = array<i32>} : memref<128x64xf32, #tpu.memory_space<vmem>>, vector<1x16xf32>,
      %swap3A_166 = arith.index_cast %add3A_156 : i32 to index
      %swap3A_167 = arith.constant 32 : index
      %swap3A_168 = tpu.vector_load %arg7[%swap3A_166, %swap3A_167] {strides = array<i32>} : memref<128x64xf32, #tpu.memory_space<vmem>>, vector<1x16xf32>,
      %swap3A_169 = vector.shape_cast %swap3A_168 : vector<1x16xf32> to vector<16xf32>
      %swap3A_170 = vector.shape_cast %scan3A_146#2 : vector<16xf32> to vector<1x16xf32>
      tpu.vector_store %arg7[%swap3A_166, %swap3A_167], %swap3A_170 {strides = array<i32>} : memref<128x64xf32, #tpu.memory_space<vmem>>, vector<1x16xf32>,
      %swap3A_171 = arith.index_cast %add3A_156 : i32 to index
      %swap3A_172 = arith.constant 48 : index
      %swap3A_173 = tpu.vector_load %arg7[%swap3A_171, %swap3A_172] {strides = array<i32>} : memref<128x64xf32, #tpu.memory_space<vmem>>, vector<1x16xf32>,
      %swap3A_174 = vector.shape_cast %swap3A_173 : vector<1x16xf32> to vector<16xf32>
      %swap3A_175 = vector.shape_cast %scan3A_146#3 : vector<16xf32> to vector<1x16xf32>
      tpu.vector_store %arg7[%swap3A_171, %swap3A_172], %swap3A_175 {strides = array<i32>} : memref<128x64xf32, #tpu.memory_space<vmem>>, vector<1x16xf32>,
      %broadcast_in_dim3A_176 = arith.constant 0.000000e+00 : f32
      %broadcast_in_dim3A_177 = vector.broadcast %broadcast_in_dim3A_176 : f32 to vector<16xf32>
      %broadcast_in_dim3A_178 = arith.constant 0.000000e+00 : f32
      %broadcast_in_dim3A_179 = vector.broadcast %broadcast_in_dim3A_178 : f32 to vector<16xf32>
      %broadcast_in_dim3A_180 = arith.constant 0.000000e+00 : f32
      %broadcast_in_dim3A_181 = vector.broadcast %broadcast_in_dim3A_180 : f32 to vector<16xf32>
      %broadcast_in_dim3A_182 = arith.constant 0.000000e+00 : f32
      %broadcast_in_dim3A_183 = vector.broadcast %broadcast_in_dim3A_182 : f32 to vector<16xf32>
      %mul3A_184 = arith.constant 4 : i32
      %mul3A_185 = arith.muli %scan3A_85, %mul3A_184 : i32
      %add3A_186 = arith.constant 2 : i32
      %add3A_187 = arith.addi %mul3A_185, %add3A_186 : i32
      %dma_wait3A_188 = arith.constant 0 : i32
      %dma_wait3A_189 = tpu.memref_slice %arg6[%add3A_187, %dma_wait3A_188] : memref<256x100xi32, #tpu.memory_space<vmem>> -> memref<1x100xi32, #tpu.memory_space<vmem>>
      %dma_wait3A_190 = tpu.memref_squeeze %dma_wait3A_189 : memref<1x100xi32, #tpu.memory_space<vmem>> -> memref<100xi32, #tpu.memory_space<vmem>>
      %dma_wait3A_191 = arith.constant 0 : i32
      %dma_wait3A_192 = arith.constant 0 : i32
      %dma_wait3A_193 = tpu.memref_slice %arg4[%dma_wait3A_191, %dma_wait3A_192] : memref<512000x128xf32, #tpu.memory_space<hbm>> -> memref<512000x128xf32, #tpu.memory_space<hbm>>
      tpu.wait_indirect_dma semaphore(%arg18 : memref<!tpu.dma_semaphore, #tpu.memory_space<semaphore_mem>>) src(%dma_wait3A_193 : memref<512000x128xf32, #tpu.memory_space<hbm>>) dst(%arg10 : memref<100x128xf32, #tpu.memory_space<vmem>>)
      %add3A_194 = arith.addi %mul3A_2, %add3A_187 : i32
      %dma_wait3A_195 = arith.constant 0 : i32
      %dma_wait3A_196 = tpu.memref_slice %arg14[%dma_wait3A_195] : memref<116xi32, #tpu.memory_space<vmem>> -> memref<100xi32, #tpu.memory_space<vmem>>
      %dma_wait3A_197 = arith.constant 0 : i32
      %dma_wait3A_198 = tpu.memref_slice %arg3[%add3A_194, %dma_wait3A_197] : memref<8192x100xi32, #tpu.memory_space<hbm>> -> memref<1x100xi32, #tpu.memory_space<hbm>>
      %dma_wait3A_199 = tpu.memref_squeeze %dma_wait3A_198 : memref<1x100xi32, #tpu.memory_space<hbm>> -> memref<100xi32, #tpu.memory_space<hbm>>
      %dma_wait3A_200 = arith.constant 0 : i32
      %dma_wait3A_201 = tpu.memref_slice %arg14[%dma_wait3A_200] : memref<116xi32, #tpu.memory_space<vmem>> -> memref<100xi32, #tpu.memory_space<vmem>>
      %dma_wait3A_202 = arith.constant 0 : i32
      %dma_wait3A_203 = tpu.memref_slice %arg3[%add3A_194, %dma_wait3A_202] : memref<8192x100xi32, #tpu.memory_space<hbm>> -> memref<1x100xi32, #tpu.memory_space<hbm>>
      %dma_wait3A_204 = tpu.memref_squeeze %dma_wait3A_203 : memref<1x100xi32, #tpu.memory_space<hbm>> -> memref<100xi32, #tpu.memory_space<hbm>>
      tpu.wait_dma2 semaphore(%arg22 : memref<!tpu.dma_semaphore, #tpu.memory_space<semaphore_mem>>) src(%dma_wait3A_204 : memref<100xi32, #tpu.memory_space<hbm>>) dst(%dma_wait3A_201 : memref<100xi32, #tpu.memory_space<vmem>>)
      %scan3A_205 = arith.constant 0 : i32
      %scan3A_206 = arith.constant 100 : i32
      %scan3A_207 = arith.addi %scan3A_205, %scan3A_206 : i32
      %scan3A_208 = arith.constant 1 : i32
      %scan3A_209:4 = scf.for %scan3A_272 = %scan3A_205 to %scan3A_207 step %scan3A_208 iter_args(%scan3A_273 = %broadcast_in_dim3A_177, %scan3A_274 = %broadcast_in_dim3A_179, %scan3A_275 = %broadcast_in_dim3A_181, %scan3A_276 = %broadcast_in_dim3A_183) -> (vector<16xf32>, vector<16xf32>, vector<16xf32>, vector<16xf32>)  : i32 {
        %get3A = arith.index_cast %scan3A_272 : i32 to index
        %get3A_277 = tpu.vector_load %arg14[%get3A] {strides = array<i32>} : memref<116xi32, #tpu.memory_space<vmem>>, vector<16xi32>,
        %get3A_278 = vector.shape_cast %get3A_277 : vector<16xi32> to vector<16xi32>
        %slice3A = vector.extract_strided_slice %get3A_278 {offsets = [0], sizes = [1], strides = [1]} : vector<16xi32> to vector<1xi32>
        %squeeze3A = vector.extract %slice3A[0] : i32 from vector<1xi32>
        %add3A_279 = arith.constant 0 : i32
        %add3A_280 = arith.addi %squeeze3A, %add3A_279 : i32
        %get3A_281 = arith.index_cast %scan3A_272 : i32 to index
        %get3A_282 = arith.index_cast %add3A_280 : i32 to index
        %get3A_283 = tpu.vector_load %arg10[%get3A_281, %get3A_282] {strides = array<i32>} : memref<100x128xf32, #tpu.memory_space<vmem>>, vector<1x16xf32>,
        %get3A_284 = vector.shape_cast %get3A_283 : vector<1x16xf32> to vector<16xf32>
        %add3A_285 = arith.addf %scan3A_273, %get3A_284 : vector<16xf32>
        %add3A_286 = arith.constant 16 : i32
        %add3A_287 = arith.addi %squeeze3A, %add3A_286 : i32
        %get3A_288 = arith.index_cast %scan3A_272 : i32 to index
        %get3A_289 = arith.index_cast %add3A_287 : i32 to index
        %get3A_290 = tpu.vector_load %arg10[%get3A_288, %get3A_289] {strides = array<i32>} : memref<100x128xf32, #tpu.memory_space<vmem>>, vector<1x16xf32>,
        %get3A_291 = vector.shape_cast %get3A_290 : vector<1x16xf32> to vector<16xf32>
        %add3A_292 = arith.addf %scan3A_274, %get3A_291 : vector<16xf32>
        %add3A_293 = arith.constant 32 : i32
        %add3A_294 = arith.addi %squeeze3A, %add3A_293 : i32
        %get3A_295 = arith.index_cast %scan3A_272 : i32 to index
        %get3A_296 = arith.index_cast %add3A_294 : i32 to index
        %get3A_297 = tpu.vector_load %arg10[%get3A_295, %get3A_296] {strides = array<i32>} : memref<100x128xf32, #tpu.memory_space<vmem>>, vector<1x16xf32>,
        %get3A_298 = vector.shape_cast %get3A_297 : vector<1x16xf32> to vector<16xf32>
        %add3A_299 = arith.addf %scan3A_275, %get3A_298 : vector<16xf32>
        %add3A_300 = arith.constant 48 : i32
        %add3A_301 = arith.addi %squeeze3A, %add3A_300 : i32
        %get3A_302 = arith.index_cast %scan3A_272 : i32 to index
        %get3A_303 = arith.index_cast %add3A_301 : i32 to index
        %get3A_304 = tpu.vector_load %arg10[%get3A_302, %get3A_303] {strides = array<i32>} : memref<100x128xf32, #tpu.memory_space<vmem>>, vector<1x16xf32>,
        %get3A_305 = vector.shape_cast %get3A_304 : vector<1x16xf32> to vector<16xf32>
        %add3A_306 = arith.addf %scan3A_276, %get3A_305 : vector<16xf32>
        scf.yield %add3A_285, %add3A_292, %add3A_299, %add3A_306 : vector<16xf32>, vector<16xf32>, vector<16xf32>, vector<16xf32>
      }
      %scan3A_210 = arith.constant 100 : i32
      %lt3A_211 = arith.constant 63 : i32
      %lt3A_212 = arith.cmpi slt, %scan3A_85, %lt3A_211 : i32
      %convert_element_type3A_213 = arith.extui %lt3A_212 : i1 to i32
      %cond3A_214 = arith.constant 0 : i32
      %cond3A_215 = arith.cmpi ne, %convert_element_type3A_213, %cond3A_214 : i32
      scf.if %cond3A_215 {
        %add3A_272 = arith.constant 4 : i32
        %add3A_273 = arith.addi %add3A_187, %add3A_272 : i32
        %dma_start3A_274 = arith.constant 0 : i32
        %dma_start3A_275 = tpu.memref_slice %arg6[%add3A_273, %dma_start3A_274] : memref<256x100xi32, #tpu.memory_space<vmem>> -> memref<1x100xi32, #tpu.memory_space<vmem>>
        %dma_start3A_276 = tpu.memref_squeeze %dma_start3A_275 : memref<1x100xi32, #tpu.memory_space<vmem>> -> memref<100xi32, #tpu.memory_space<vmem>>
        %dma_start3A_277 = arith.constant 0 : i32
        %dma_start3A_278 = arith.constant 0 : i32
        %dma_start3A_279 = tpu.memref_slice %arg4[%dma_start3A_277, %dma_start3A_278] : memref<512000x128xf32, #tpu.memory_space<hbm>> -> memref<512000x128xf32, #tpu.memory_space<hbm>>
        tpu.enqueue_indirect_dma source(%dma_start3A_279 : memref<512000x128xf32, #tpu.memory_space<hbm>>) target(%arg10 : memref<100x128xf32, #tpu.memory_space<vmem>>) offsets(%dma_start3A_276 : memref<100xi32, #tpu.memory_space<vmem>>) semaphore(%arg18 : memref<!tpu.dma_semaphore, #tpu.memory_space<semaphore_mem>>)
        %add3A_280 = arith.addi %mul3A_2, %add3A_273 : i32
        %dma_start3A_281 = arith.constant 0 : i32
        %dma_start3A_282 = tpu.memref_slice %arg14[%dma_start3A_281] : memref<116xi32, #tpu.memory_space<vmem>> -> memref<100xi32, #tpu.memory_space<vmem>>
        %dma_start3A_283 = arith.constant 0 : i32
        %dma_start3A_284 = tpu.memref_slice %arg3[%add3A_280, %dma_start3A_283] : memref<8192x100xi32, #tpu.memory_space<hbm>> -> memref<1x100xi32, #tpu.memory_space<hbm>>
        %dma_start3A_285 = tpu.memref_squeeze %dma_start3A_284 : memref<1x100xi32, #tpu.memory_space<hbm>> -> memref<100xi32, #tpu.memory_space<hbm>>
        %dma_start3A_286 = arith.constant 0 : i32
        %dma_start3A_287 = tpu.memref_slice %arg14[%dma_start3A_286] : memref<116xi32, #tpu.memory_space<vmem>> -> memref<100xi32, #tpu.memory_space<vmem>>
        %dma_start3A_288 = arith.constant 0 : i32
        %dma_start3A_289 = tpu.memref_slice %arg3[%add3A_280, %dma_start3A_288] : memref<8192x100xi32, #tpu.memory_space<hbm>> -> memref<1x100xi32, #tpu.memory_space<hbm>>
        %dma_start3A_290 = tpu.memref_squeeze %dma_start3A_289 : memref<1x100xi32, #tpu.memory_space<hbm>> -> memref<100xi32, #tpu.memory_space<hbm>>
        tpu.enqueue_dma source(%dma_start3A_290 : memref<100xi32, #tpu.memory_space<hbm>>) target(%dma_start3A_287 : memref<100xi32, #tpu.memory_space<vmem>>) target_semaphore(%arg22 : memref<!tpu.dma_semaphore, #tpu.memory_space<semaphore_mem>>)
      } else {
      }
      %mul3A_216 = arith.constant 4 : i32
      %mul3A_217 = arith.muli %scan3A_85, %mul3A_216 : i32
      %add3A_218 = arith.constant 3 : i32
      %add3A_219 = arith.addi %mul3A_217, %add3A_218 : i32
      %dma_wait3A_220 = arith.constant 0 : i32
      %dma_wait3A_221 = tpu.memref_slice %arg6[%add3A_219, %dma_wait3A_220] : memref<256x100xi32, #tpu.memory_space<vmem>> -> memref<1x100xi32, #tpu.memory_space<vmem>>
      %dma_wait3A_222 = tpu.memref_squeeze %dma_wait3A_221 : memref<1x100xi32, #tpu.memory_space<vmem>> -> memref<100xi32, #tpu.memory_space<vmem>>
      %dma_wait3A_223 = arith.constant 0 : i32
      %dma_wait3A_224 = arith.constant 0 : i32
      %dma_wait3A_225 = tpu.memref_slice %arg4[%dma_wait3A_223, %dma_wait3A_224] : memref<512000x128xf32, #tpu.memory_space<hbm>> -> memref<512000x128xf32, #tpu.memory_space<hbm>>
      tpu.wait_indirect_dma semaphore(%arg19 : memref<!tpu.dma_semaphore, #tpu.memory_space<semaphore_mem>>) src(%dma_wait3A_225 : memref<512000x128xf32, #tpu.memory_space<hbm>>) dst(%arg11 : memref<100x128xf32, #tpu.memory_space<vmem>>)
      %add3A_226 = arith.addi %mul3A_2, %add3A_219 : i32
      %dma_wait3A_227 = arith.constant 0 : i32
      %dma_wait3A_228 = tpu.memref_slice %arg15[%dma_wait3A_227] : memref<116xi32, #tpu.memory_space<vmem>> -> memref<100xi32, #tpu.memory_space<vmem>>
      %dma_wait3A_229 = arith.constant 0 : i32
      %dma_wait3A_230 = tpu.memref_slice %arg3[%add3A_226, %dma_wait3A_229] : memref<8192x100xi32, #tpu.memory_space<hbm>> -> memref<1x100xi32, #tpu.memory_space<hbm>>
      %dma_wait3A_231 = tpu.memref_squeeze %dma_wait3A_230 : memref<1x100xi32, #tpu.memory_space<hbm>> -> memref<100xi32, #tpu.memory_space<hbm>>
      %dma_wait3A_232 = arith.constant 0 : i32
      %dma_wait3A_233 = tpu.memref_slice %arg15[%dma_wait3A_232] : memref<116xi32, #tpu.memory_space<vmem>> -> memref<100xi32, #tpu.memory_space<vmem>>
      %dma_wait3A_234 = arith.constant 0 : i32
      %dma_wait3A_235 = tpu.memref_slice %arg3[%add3A_226, %dma_wait3A_234] : memref<8192x100xi32, #tpu.memory_space<hbm>> -> memref<1x100xi32, #tpu.memory_space<hbm>>
      %dma_wait3A_236 = tpu.memref_squeeze %dma_wait3A_235 : memref<1x100xi32, #tpu.memory_space<hbm>> -> memref<100xi32, #tpu.memory_space<hbm>>
      tpu.wait_dma2 semaphore(%arg23 : memref<!tpu.dma_semaphore, #tpu.memory_space<semaphore_mem>>) src(%dma_wait3A_236 : memref<100xi32, #tpu.memory_space<hbm>>) dst(%dma_wait3A_233 : memref<100xi32, #tpu.memory_space<vmem>>)
      %scan3A_237 = arith.constant 0 : i32
      %scan3A_238 = arith.constant 100 : i32
      %scan3A_239 = arith.addi %scan3A_237, %scan3A_238 : i32
      %scan3A_240 = arith.constant 1 : i32
      %scan3A_241:4 = scf.for %scan3A_272 = %scan3A_237 to %scan3A_239 step %scan3A_240 iter_args(%scan3A_273 = %scan3A_209#0, %scan3A_274 = %scan3A_209#1, %scan3A_275 = %scan3A_209#2, %scan3A_276 = %scan3A_209#3) -> (vector<16xf32>, vector<16xf32>, vector<16xf32>, vector<16xf32>)  : i32 {
        %get3A = arith.index_cast %scan3A_272 : i32 to index
        %get3A_277 = tpu.vector_load %arg15[%get3A] {strides = array<i32>} : memref<116xi32, #tpu.memory_space<vmem>>, vector<16xi32>,
        %get3A_278 = vector.shape_cast %get3A_277 : vector<16xi32> to vector<16xi32>
        %slice3A = vector.extract_strided_slice %get3A_278 {offsets = [0], sizes = [1], strides = [1]} : vector<16xi32> to vector<1xi32>
        %squeeze3A = vector.extract %slice3A[0] : i32 from vector<1xi32>
        %add3A_279 = arith.constant 0 : i32
        %add3A_280 = arith.addi %squeeze3A, %add3A_279 : i32
        %get3A_281 = arith.index_cast %scan3A_272 : i32 to index
        %get3A_282 = arith.index_cast %add3A_280 : i32 to index
        %get3A_283 = tpu.vector_load %arg11[%get3A_281, %get3A_282] {strides = array<i32>} : memref<100x128xf32, #tpu.memory_space<vmem>>, vector<1x16xf32>,
        %get3A_284 = vector.shape_cast %get3A_283 : vector<1x16xf32> to vector<16xf32>
        %add3A_285 = arith.addf %scan3A_273, %get3A_284 : vector<16xf32>
        %add3A_286 = arith.constant 16 : i32
        %add3A_287 = arith.addi %squeeze3A, %add3A_286 : i32
        %get3A_288 = arith.index_cast %scan3A_272 : i32 to index
        %get3A_289 = arith.index_cast %add3A_287 : i32 to index
        %get3A_290 = tpu.vector_load %arg11[%get3A_288, %get3A_289] {strides = array<i32>} : memref<100x128xf32, #tpu.memory_space<vmem>>, vector<1x16xf32>,
        %get3A_291 = vector.shape_cast %get3A_290 : vector<1x16xf32> to vector<16xf32>
        %add3A_292 = arith.addf %scan3A_274, %get3A_291 : vector<16xf32>
        %add3A_293 = arith.constant 32 : i32
        %add3A_294 = arith.addi %squeeze3A, %add3A_293 : i32
        %get3A_295 = arith.index_cast %scan3A_272 : i32 to index
        %get3A_296 = arith.index_cast %add3A_294 : i32 to index
        %get3A_297 = tpu.vector_load %arg11[%get3A_295, %get3A_296] {strides = array<i32>} : memref<100x128xf32, #tpu.memory_space<vmem>>, vector<1x16xf32>,
        %get3A_298 = vector.shape_cast %get3A_297 : vector<1x16xf32> to vector<16xf32>
        %add3A_299 = arith.addf %scan3A_275, %get3A_298 : vector<16xf32>
        %add3A_300 = arith.constant 48 : i32
        %add3A_301 = arith.addi %squeeze3A, %add3A_300 : i32
        %get3A_302 = arith.index_cast %scan3A_272 : i32 to index
        %get3A_303 = arith.index_cast %add3A_301 : i32 to index
        %get3A_304 = tpu.vector_load %arg11[%get3A_302, %get3A_303] {strides = array<i32>} : memref<100x128xf32, #tpu.memory_space<vmem>>, vector<1x16xf32>,
        %get3A_305 = vector.shape_cast %get3A_304 : vector<1x16xf32> to vector<16xf32>
        %add3A_306 = arith.addf %scan3A_276, %get3A_305 : vector<16xf32>
        scf.yield %add3A_285, %add3A_292, %add3A_299, %add3A_306 : vector<16xf32>, vector<16xf32>, vector<16xf32>, vector<16xf32>
      }
      %scan3A_242 = arith.constant 100 : i32
      %lt3A_243 = arith.constant 63 : i32
      %lt3A_244 = arith.cmpi slt, %scan3A_85, %lt3A_243 : i32
      %convert_element_type3A_245 = arith.extui %lt3A_244 : i1 to i32
      %cond3A_246 = arith.constant 0 : i32
      %cond3A_247 = arith.cmpi ne, %convert_element_type3A_245, %cond3A_246 : i32
      scf.if %cond3A_247 {
        %add3A_272 = arith.constant 4 : i32
        %add3A_273 = arith.addi %add3A_219, %add3A_272 : i32
        %dma_start3A_274 = arith.constant 0 : i32
        %dma_start3A_275 = tpu.memref_slice %arg6[%add3A_273, %dma_start3A_274] : memref<256x100xi32, #tpu.memory_space<vmem>> -> memref<1x100xi32, #tpu.memory_space<vmem>>
        %dma_start3A_276 = tpu.memref_squeeze %dma_start3A_275 : memref<1x100xi32, #tpu.memory_space<vmem>> -> memref<100xi32, #tpu.memory_space<vmem>>
        %dma_start3A_277 = arith.constant 0 : i32
        %dma_start3A_278 = arith.constant 0 : i32
        %dma_start3A_279 = tpu.memref_slice %arg4[%dma_start3A_277, %dma_start3A_278] : memref<512000x128xf32, #tpu.memory_space<hbm>> -> memref<512000x128xf32, #tpu.memory_space<hbm>>
        tpu.enqueue_indirect_dma source(%dma_start3A_279 : memref<512000x128xf32, #tpu.memory_space<hbm>>) target(%arg11 : memref<100x128xf32, #tpu.memory_space<vmem>>) offsets(%dma_start3A_276 : memref<100xi32, #tpu.memory_space<vmem>>) semaphore(%arg19 : memref<!tpu.dma_semaphore, #tpu.memory_space<semaphore_mem>>)
        %add3A_280 = arith.addi %mul3A_2, %add3A_273 : i32
        %dma_start3A_281 = arith.constant 0 : i32
        %dma_start3A_282 = tpu.memref_slice %arg15[%dma_start3A_281] : memref<116xi32, #tpu.memory_space<vmem>> -> memref<100xi32, #tpu.memory_space<vmem>>
        %dma_start3A_283 = arith.constant 0 : i32
        %dma_start3A_284 = tpu.memref_slice %arg3[%add3A_280, %dma_start3A_283] : memref<8192x100xi32, #tpu.memory_space<hbm>> -> memref<1x100xi32, #tpu.memory_space<hbm>>
        %dma_start3A_285 = tpu.memref_squeeze %dma_start3A_284 : memref<1x100xi32, #tpu.memory_space<hbm>> -> memref<100xi32, #tpu.memory_space<hbm>>
        %dma_start3A_286 = arith.constant 0 : i32
        %dma_start3A_287 = tpu.memref_slice %arg15[%dma_start3A_286] : memref<116xi32, #tpu.memory_space<vmem>> -> memref<100xi32, #tpu.memory_space<vmem>>
        %dma_start3A_288 = arith.constant 0 : i32
        %dma_start3A_289 = tpu.memref_slice %arg3[%add3A_280, %dma_start3A_288] : memref<8192x100xi32, #tpu.memory_space<hbm>> -> memref<1x100xi32, #tpu.memory_space<hbm>>
        %dma_start3A_290 = tpu.memref_squeeze %dma_start3A_289 : memref<1x100xi32, #tpu.memory_space<hbm>> -> memref<100xi32, #tpu.memory_space<hbm>>
        tpu.enqueue_dma source(%dma_start3A_290 : memref<100xi32, #tpu.memory_space<hbm>>) target(%dma_start3A_287 : memref<100xi32, #tpu.memory_space<vmem>>) target_semaphore(%arg23 : memref<!tpu.dma_semaphore, #tpu.memory_space<semaphore_mem>>)
      } else {
      }
      %mul3A_248 = arith.constant 2 : i32
      %mul3A_249 = arith.muli %scan3A_85, %mul3A_248 : i32
      %add3A_250 = arith.constant 1 : i32
      %add3A_251 = arith.addi %mul3A_249, %add3A_250 : i32
      %swap3A_252 = arith.index_cast %add3A_251 : i32 to index
      %swap3A_253 = arith.constant 0 : index
      %swap3A_254 = tpu.vector_load %arg7[%swap3A_252, %swap3A_253] {strides = array<i32>} : memref<128x64xf32, #tpu.memory_space<vmem>>, vector<1x16xf32>,
      %swap3A_255 = vector.shape_cast %swap3A_254 : vector<1x16xf32> to vector<16xf32>
      %swap3A_256 = vector.shape_cast %scan3A_241#0 : vector<16xf32> to vector<1x16xf32>
      tpu.vector_store %arg7[%swap3A_252, %swap3A_253], %swap3A_256 {strides = array<i32>} : memref<128x64xf32, #tpu.memory_space<vmem>>, vector<1x16xf32>,
      %swap3A_257 = arith.index_cast %add3A_251 : i32 to index
      %swap3A_258 = arith.constant 16 : index
      %swap3A_259 = tpu.vector_load %arg7[%swap3A_257, %swap3A_258] {strides = array<i32>} : memref<128x64xf32, #tpu.memory_space<vmem>>, vector<1x16xf32>,
      %swap3A_260 = vector.shape_cast %swap3A_259 : vector<1x16xf32> to vector<16xf32>
      %swap3A_261 = vector.shape_cast %scan3A_241#1 : vector<16xf32> to vector<1x16xf32>
      tpu.vector_store %arg7[%swap3A_257, %swap3A_258], %swap3A_261 {strides = array<i32>} : memref<128x64xf32, #tpu.memory_space<vmem>>, vector<1x16xf32>,
      %swap3A_262 = arith.index_cast %add3A_251 : i32 to index
      %swap3A_263 = arith.constant 32 : index
      %swap3A_264 = tpu.vector_load %arg7[%swap3A_262, %swap3A_263] {strides = array<i32>} : memref<128x64xf32, #tpu.memory_space<vmem>>, vector<1x16xf32>,
      %swap3A_265 = vector.shape_cast %swap3A_264 : vector<1x16xf32> to vector<16xf32>
      %swap3A_266 = vector.shape_cast %scan3A_241#2 : vector<16xf32> to vector<1x16xf32>
      tpu.vector_store %arg7[%swap3A_262, %swap3A_263], %swap3A_266 {strides = array<i32>} : memref<128x64xf32, #tpu.memory_space<vmem>>, vector<1x16xf32>,
      %swap3A_267 = arith.index_cast %add3A_251 : i32 to index
      %swap3A_268 = arith.constant 48 : index
      %swap3A_269 = tpu.vector_load %arg7[%swap3A_267, %swap3A_268] {strides = array<i32>} : memref<128x64xf32, #tpu.memory_space<vmem>>, vector<1x16xf32>,
      %swap3A_270 = vector.shape_cast %swap3A_269 : vector<1x16xf32> to vector<16xf32>
      %swap3A_271 = vector.shape_cast %scan3A_241#3 : vector<16xf32> to vector<1x16xf32>
      tpu.vector_store %arg7[%swap3A_267, %swap3A_268], %swap3A_271 {strides = array<i32>} : memref<128x64xf32, #tpu.memory_space<vmem>>, vector<1x16xf32>,
    }
    %scan3A_84 = arith.constant 64 : i32
    "tpu.region"() ({
      %run_scoped3A = tpu.sem_alloc : memref<!tpu.dma_semaphore, #tpu.memory_space<semaphore_mem>>
      %dma_start3A_85 = arith.constant 0 : i32
      %dma_start3A_86 = tpu.memref_slice %arg5[%mul3A_4, %dma_start3A_85] : memref<4096x64xf32, #tpu.memory_space<hbm>> -> memref<128x64xf32, #tpu.memory_space<hbm>>
      %dma_start3A_87 = arith.constant 0 : i32
      %dma_start3A_88 = tpu.memref_slice %arg5[%mul3A_4, %dma_start3A_87] : memref<4096x64xf32, #tpu.memory_space<hbm>> -> memref<128x64xf32, #tpu.memory_space<hbm>>
      tpu.enqueue_dma source(%arg7 : memref<128x64xf32, #tpu.memory_space<vmem>>) target(%dma_start3A_88 : memref<128x64xf32, #tpu.memory_space<hbm>>) target_semaphore(%run_scoped3A : memref<!tpu.dma_semaphore, #tpu.memory_space<semaphore_mem>>)
      %dma_wait3A = arith.constant 0 : i32
      %dma_wait3A_89 = tpu.memref_slice %arg5[%mul3A_4, %dma_wait3A] : memref<4096x64xf32, #tpu.memory_space<hbm>> -> memref<128x64xf32, #tpu.memory_space<hbm>>
      %dma_wait3A_90 = arith.constant 0 : i32
      %dma_wait3A_91 = tpu.memref_slice %arg5[%mul3A_4, %dma_wait3A_90] : memref<4096x64xf32, #tpu.memory_space<hbm>> -> memref<128x64xf32, #tpu.memory_space<hbm>>
      tpu.wait_dma2 semaphore(%run_scoped3A : memref<!tpu.dma_semaphore, #tpu.memory_space<semaphore_mem>>) src(%arg7 : memref<128x64xf32, #tpu.memory_space<vmem>>) dst(%dma_wait3A_91 : memref<128x64xf32, #tpu.memory_space<hbm>>)
      tpu.yield
    }) : () -> ()
    return
  }
}

module attributes {stable_mosaic.version = 14 : i64} {
  func.func @_fmt_body(%arg0: i32, %arg1: memref<64x10240xf32, #tpu.memory_space<vmem>>, %arg2: memref<64x10240xf32, #tpu.memory_space<vmem>>, %arg3: memref<10240x128xf32, #tpu.memory_space<vmem>>) attributes {dimension_semantics = [#tpu.dimension_semantics<parallel>], iteration_bounds = array<i64: 50>, scalar_prefetch = 0 : i64, scratch_operands = 0 : i64, tpu.core_type = #tpu.core_type<tc>, window_params = [{transform_indices = @transform_0, window_bounds = array<i64: 64, 10240>}, {transform_indices = @transform_1, window_bounds = array<i64: 64, 10240>}, {transform_indices = @transform_2, window_bounds = array<i64: 10240, 128>}]} {
    %get3A = arith.constant 0 : index
    %get3A_0 = arith.constant 0 : index
    %get3A_1 = vector.load %arg1[%get3A, %get3A_0] : memref<64x10240xf32, #tpu.memory_space<vmem>>, vector<64x128xf32>
    %transpose3A = tpu.transpose %get3A_1, [1, 0] : vector<64x128xf32> -> vector<128x64xf32>
    %get3A_2 = arith.constant 0 : index
    %get3A_3 = arith.constant 0 : index
    %get3A_4 = vector.load %arg2[%get3A_2, %get3A_3] : memref<64x10240xf32, #tpu.memory_space<vmem>>, vector<64x128xf32>
    %transpose3A_5 = tpu.transpose %get3A_4, [1, 0] : vector<64x128xf32> -> vector<128x64xf32>
    %concatenate3A = tpu.concatenate %transpose3A, %transpose3A_5 in 1 : vector<128x64xf32>, vector<128x64xf32> -> vector<128x128xf32>
    %swap3A = arith.constant 0 : index
    %swap3A_6 = arith.constant 0 : index
    %swap3A_7 = vector.load %arg3[%swap3A, %swap3A_6] : memref<10240x128xf32, #tpu.memory_space<vmem>>, vector<128x128xf32>
    tpu.vector_store %arg3[%swap3A, %swap3A_6], %concatenate3A {strides = array<i32>} : memref<10240x128xf32, #tpu.memory_space<vmem>>, vector<128x128xf32>,
    %get3A_8 = arith.constant 0 : index
    %get3A_9 = arith.constant 128 : index
    %get3A_10 = vector.load %arg1[%get3A_8, %get3A_9] : memref<64x10240xf32, #tpu.memory_space<vmem>>, vector<64x128xf32>
    %transpose3A_11 = tpu.transpose %get3A_10, [1, 0] : vector<64x128xf32> -> vector<128x64xf32>
    %get3A_12 = arith.constant 0 : index
    %get3A_13 = arith.constant 128 : index
    %get3A_14 = vector.load %arg2[%get3A_12, %get3A_13] : memref<64x10240xf32, #tpu.memory_space<vmem>>, vector<64x128xf32>
    %transpose3A_15 = tpu.transpose %get3A_14, [1, 0] : vector<64x128xf32> -> vector<128x64xf32>
    %concatenate3A_16 = tpu.concatenate %transpose3A_11, %transpose3A_15 in 1 : vector<128x64xf32>, vector<128x64xf32> -> vector<128x128xf32>
    %swap3A_17 = arith.constant 128 : index
    %swap3A_18 = arith.constant 0 : index
    %swap3A_19 = vector.load %arg3[%swap3A_17, %swap3A_18] : memref<10240x128xf32, #tpu.memory_space<vmem>>, vector<128x128xf32>
    tpu.vector_store %arg3[%swap3A_17, %swap3A_18], %concatenate3A_16 {strides = array<i32>} : memref<10240x128xf32, #tpu.memory_space<vmem>>, vector<128x128xf32>,
    %get3A_20 = arith.constant 0 : index
    %get3A_21 = arith.constant 256 : index
    %get3A_22 = vector.load %arg1[%get3A_20, %get3A_21] : memref<64x10240xf32, #tpu.memory_space<vmem>>, vector<64x128xf32>
    %transpose3A_23 = tpu.transpose %get3A_22, [1, 0] : vector<64x128xf32> -> vector<128x64xf32>
    %get3A_24 = arith.constant 0 : index
    %get3A_25 = arith.constant 256 : index
    %get3A_26 = vector.load %arg2[%get3A_24, %get3A_25] : memref<64x10240xf32, #tpu.memory_space<vmem>>, vector<64x128xf32>
    %transpose3A_27 = tpu.transpose %get3A_26, [1, 0] : vector<64x128xf32> -> vector<128x64xf32>
    %concatenate3A_28 = tpu.concatenate %transpose3A_23, %transpose3A_27 in 1 : vector<128x64xf32>, vector<128x64xf32> -> vector<128x128xf32>
    %swap3A_29 = arith.constant 256 : index
    %swap3A_30 = arith.constant 0 : index
    %swap3A_31 = vector.load %arg3[%swap3A_29, %swap3A_30] : memref<10240x128xf32, #tpu.memory_space<vmem>>, vector<128x128xf32>
    tpu.vector_store %arg3[%swap3A_29, %swap3A_30], %concatenate3A_28 {strides = array<i32>} : memref<10240x128xf32, #tpu.memory_space<vmem>>, vector<128x128xf32>,
    %get3A_32 = arith.constant 0 : index
    %get3A_33 = arith.constant 384 : index
    %get3A_34 = vector.load %arg1[%get3A_32, %get3A_33] : memref<64x10240xf32, #tpu.memory_space<vmem>>, vector<64x128xf32>
    %transpose3A_35 = tpu.transpose %get3A_34, [1, 0] : vector<64x128xf32> -> vector<128x64xf32>
    %get3A_36 = arith.constant 0 : index
    %get3A_37 = arith.constant 384 : index
    %get3A_38 = vector.load %arg2[%get3A_36, %get3A_37] : memref<64x10240xf32, #tpu.memory_space<vmem>>, vector<64x128xf32>
    %transpose3A_39 = tpu.transpose %get3A_38, [1, 0] : vector<64x128xf32> -> vector<128x64xf32>
    %concatenate3A_40 = tpu.concatenate %transpose3A_35, %transpose3A_39 in 1 : vector<128x64xf32>, vector<128x64xf32> -> vector<128x128xf32>
    %swap3A_41 = arith.constant 384 : index
    %swap3A_42 = arith.constant 0 : index
    %swap3A_43 = vector.load %arg3[%swap3A_41, %swap3A_42] : memref<10240x128xf32, #tpu.memory_space<vmem>>, vector<128x128xf32>
    tpu.vector_store %arg3[%swap3A_41, %swap3A_42], %concatenate3A_40 {strides = array<i32>} : memref<10240x128xf32, #tpu.memory_space<vmem>>, vector<128x128xf32>,
    %get3A_44 = arith.constant 0 : index
    %get3A_45 = arith.constant 512 : index
    %get3A_46 = vector.load %arg1[%get3A_44, %get3A_45] : memref<64x10240xf32, #tpu.memory_space<vmem>>, vector<64x128xf32>
    %transpose3A_47 = tpu.transpose %get3A_46, [1, 0] : vector<64x128xf32> -> vector<128x64xf32>
    %get3A_48 = arith.constant 0 : index
    %get3A_49 = arith.constant 512 : index
    %get3A_50 = vector.load %arg2[%get3A_48, %get3A_49] : memref<64x10240xf32, #tpu.memory_space<vmem>>, vector<64x128xf32>
    %transpose3A_51 = tpu.transpose %get3A_50, [1, 0] : vector<64x128xf32> -> vector<128x64xf32>
    %concatenate3A_52 = tpu.concatenate %transpose3A_47, %transpose3A_51 in 1 : vector<128x64xf32>, vector<128x64xf32> -> vector<128x128xf32>
    %swap3A_53 = arith.constant 512 : index
    %swap3A_54 = arith.constant 0 : index
    %swap3A_55 = vector.load %arg3[%swap3A_53, %swap3A_54] : memref<10240x128xf32, #tpu.memory_space<vmem>>, vector<128x128xf32>
    tpu.vector_store %arg3[%swap3A_53, %swap3A_54], %concatenate3A_52 {strides = array<i32>} : memref<10240x128xf32, #tpu.memory_space<vmem>>, vector<128x128xf32>,
    %get3A_56 = arith.constant 0 : index
    %get3A_57 = arith.constant 640 : index
    %get3A_58 = vector.load %arg1[%get3A_56, %get3A_57] : memref<64x10240xf32, #tpu.memory_space<vmem>>, vector<64x128xf32>
    %transpose3A_59 = tpu.transpose %get3A_58, [1, 0] : vector<64x128xf32> -> vector<128x64xf32>
    %get3A_60 = arith.constant 0 : index
    %get3A_61 = arith.constant 640 : index
    %get3A_62 = vector.load %arg2[%get3A_60, %get3A_61] : memref<64x10240xf32, #tpu.memory_space<vmem>>, vector<64x128xf32>
    %transpose3A_63 = tpu.transpose %get3A_62, [1, 0] : vector<64x128xf32> -> vector<128x64xf32>
    %concatenate3A_64 = tpu.concatenate %transpose3A_59, %transpose3A_63 in 1 : vector<128x64xf32>, vector<128x64xf32> -> vector<128x128xf32>
    %swap3A_65 = arith.constant 640 : index
    %swap3A_66 = arith.constant 0 : index
    %swap3A_67 = vector.load %arg3[%swap3A_65, %swap3A_66] : memref<10240x128xf32, #tpu.memory_space<vmem>>, vector<128x128xf32>
    tpu.vector_store %arg3[%swap3A_65, %swap3A_66], %concatenate3A_64 {strides = array<i32>} : memref<10240x128xf32, #tpu.memory_space<vmem>>, vector<128x128xf32>,
    %get3A_68 = arith.constant 0 : index
    %get3A_69 = arith.constant 768 : index
    %get3A_70 = vector.load %arg1[%get3A_68, %get3A_69] : memref<64x10240xf32, #tpu.memory_space<vmem>>, vector<64x128xf32>
    %transpose3A_71 = tpu.transpose %get3A_70, [1, 0] : vector<64x128xf32> -> vector<128x64xf32>
    %get3A_72 = arith.constant 0 : index
    %get3A_73 = arith.constant 768 : index
    %get3A_74 = vector.load %arg2[%get3A_72, %get3A_73] : memref<64x10240xf32, #tpu.memory_space<vmem>>, vector<64x128xf32>
    %transpose3A_75 = tpu.transpose %get3A_74, [1, 0] : vector<64x128xf32> -> vector<128x64xf32>
    %concatenate3A_76 = tpu.concatenate %transpose3A_71, %transpose3A_75 in 1 : vector<128x64xf32>, vector<128x64xf32> -> vector<128x128xf32>
    %swap3A_77 = arith.constant 768 : index
    %swap3A_78 = arith.constant 0 : index
    %swap3A_79 = vector.load %arg3[%swap3A_77, %swap3A_78] : memref<10240x128xf32, #tpu.memory_space<vmem>>, vector<128x128xf32>
    tpu.vector_store %arg3[%swap3A_77, %swap3A_78], %concatenate3A_76 {strides = array<i32>} : memref<10240x128xf32, #tpu.memory_space<vmem>>, vector<128x128xf32>,
    %get3A_80 = arith.constant 0 : index
    %get3A_81 = arith.constant 896 : index
    %get3A_82 = vector.load %arg1[%get3A_80, %get3A_81] : memref<64x10240xf32, #tpu.memory_space<vmem>>, vector<64x128xf32>
    %transpose3A_83 = tpu.transpose %get3A_82, [1, 0] : vector<64x128xf32> -> vector<128x64xf32>
    %get3A_84 = arith.constant 0 : index
    %get3A_85 = arith.constant 896 : index
    %get3A_86 = vector.load %arg2[%get3A_84, %get3A_85] : memref<64x10240xf32, #tpu.memory_space<vmem>>, vector<64x128xf32>
    %transpose3A_87 = tpu.transpose %get3A_86, [1, 0] : vector<64x128xf32> -> vector<128x64xf32>
    %concatenate3A_88 = tpu.concatenate %transpose3A_83, %transpose3A_87 in 1 : vector<128x64xf32>, vector<128x64xf32> -> vector<128x128xf32>
    %swap3A_89 = arith.constant 896 : index
    %swap3A_90 = arith.constant 0 : index
    %swap3A_91 = vector.load %arg3[%swap3A_89, %swap3A_90] : memref<10240x128xf32, #tpu.memory_space<vmem>>, vector<128x128xf32>
    tpu.vector_store %arg3[%swap3A_89, %swap3A_90], %concatenate3A_88 {strides = array<i32>} : memref<10240x128xf32, #tpu.memory_space<vmem>>, vector<128x128xf32>,
    %get3A_92 = arith.constant 0 : index
    %get3A_93 = arith.constant 1024 : index
    %get3A_94 = vector.load %arg1[%get3A_92, %get3A_93] : memref<64x10240xf32, #tpu.memory_space<vmem>>, vector<64x128xf32>
    %transpose3A_95 = tpu.transpose %get3A_94, [1, 0] : vector<64x128xf32> -> vector<128x64xf32>
    %get3A_96 = arith.constant 0 : index
    %get3A_97 = arith.constant 1024 : index
    %get3A_98 = vector.load %arg2[%get3A_96, %get3A_97] : memref<64x10240xf32, #tpu.memory_space<vmem>>, vector<64x128xf32>
    %transpose3A_99 = tpu.transpose %get3A_98, [1, 0] : vector<64x128xf32> -> vector<128x64xf32>
    %concatenate3A_100 = tpu.concatenate %transpose3A_95, %transpose3A_99 in 1 : vector<128x64xf32>, vector<128x64xf32> -> vector<128x128xf32>
    %swap3A_101 = arith.constant 1024 : index
    %swap3A_102 = arith.constant 0 : index
    %swap3A_103 = vector.load %arg3[%swap3A_101, %swap3A_102] : memref<10240x128xf32, #tpu.memory_space<vmem>>, vector<128x128xf32>
    tpu.vector_store %arg3[%swap3A_101, %swap3A_102], %concatenate3A_100 {strides = array<i32>} : memref<10240x128xf32, #tpu.memory_space<vmem>>, vector<128x128xf32>,
    %get3A_104 = arith.constant 0 : index
    %get3A_105 = arith.constant 1152 : index
    %get3A_106 = vector.load %arg1[%get3A_104, %get3A_105] : memref<64x10240xf32, #tpu.memory_space<vmem>>, vector<64x128xf32>
    %transpose3A_107 = tpu.transpose %get3A_106, [1, 0] : vector<64x128xf32> -> vector<128x64xf32>
    %get3A_108 = arith.constant 0 : index
    %get3A_109 = arith.constant 1152 : index
    %get3A_110 = vector.load %arg2[%get3A_108, %get3A_109] : memref<64x10240xf32, #tpu.memory_space<vmem>>, vector<64x128xf32>
    %transpose3A_111 = tpu.transpose %get3A_110, [1, 0] : vector<64x128xf32> -> vector<128x64xf32>
    %concatenate3A_112 = tpu.concatenate %transpose3A_107, %transpose3A_111 in 1 : vector<128x64xf32>, vector<128x64xf32> -> vector<128x128xf32>
    %swap3A_113 = arith.constant 1152 : index
    %swap3A_114 = arith.constant 0 : index
    %swap3A_115 = vector.load %arg3[%swap3A_113, %swap3A_114] : memref<10240x128xf32, #tpu.memory_space<vmem>>, vector<128x128xf32>
    tpu.vector_store %arg3[%swap3A_113, %swap3A_114], %concatenate3A_112 {strides = array<i32>} : memref<10240x128xf32, #tpu.memory_space<vmem>>, vector<128x128xf32>,
    %get3A_116 = arith.constant 0 : index
    %get3A_117 = arith.constant 1280 : index
    %get3A_118 = vector.load %arg1[%get3A_116, %get3A_117] : memref<64x10240xf32, #tpu.memory_space<vmem>>, vector<64x128xf32>
    %transpose3A_119 = tpu.transpose %get3A_118, [1, 0] : vector<64x128xf32> -> vector<128x64xf32>
    %get3A_120 = arith.constant 0 : index
    %get3A_121 = arith.constant 1280 : index
    %get3A_122 = vector.load %arg2[%get3A_120, %get3A_121] : memref<64x10240xf32, #tpu.memory_space<vmem>>, vector<64x128xf32>
    %transpose3A_123 = tpu.transpose %get3A_122, [1, 0] : vector<64x128xf32> -> vector<128x64xf32>
    %concatenate3A_124 = tpu.concatenate %transpose3A_119, %transpose3A_123 in 1 : vector<128x64xf32>, vector<128x64xf32> -> vector<128x128xf32>
    %swap3A_125 = arith.constant 1280 : index
    %swap3A_126 = arith.constant 0 : index
    %swap3A_127 = vector.load %arg3[%swap3A_125, %swap3A_126] : memref<10240x128xf32, #tpu.memory_space<vmem>>, vector<128x128xf32>
    tpu.vector_store %arg3[%swap3A_125, %swap3A_126], %concatenate3A_124 {strides = array<i32>} : memref<10240x128xf32, #tpu.memory_space<vmem>>, vector<128x128xf32>,
    %get3A_128 = arith.constant 0 : index
    %get3A_129 = arith.constant 1408 : index
    %get3A_130 = vector.load %arg1[%get3A_128, %get3A_129] : memref<64x10240xf32, #tpu.memory_space<vmem>>, vector<64x128xf32>
    %transpose3A_131 = tpu.transpose %get3A_130, [1, 0] : vector<64x128xf32> -> vector<128x64xf32>
    %get3A_132 = arith.constant 0 : index
    %get3A_133 = arith.constant 1408 : index
    %get3A_134 = vector.load %arg2[%get3A_132, %get3A_133] : memref<64x10240xf32, #tpu.memory_space<vmem>>, vector<64x128xf32>
    %transpose3A_135 = tpu.transpose %get3A_134, [1, 0] : vector<64x128xf32> -> vector<128x64xf32>
    %concatenate3A_136 = tpu.concatenate %transpose3A_131, %transpose3A_135 in 1 : vector<128x64xf32>, vector<128x64xf32> -> vector<128x128xf32>
    %swap3A_137 = arith.constant 1408 : index
    %swap3A_138 = arith.constant 0 : index
    %swap3A_139 = vector.load %arg3[%swap3A_137, %swap3A_138] : memref<10240x128xf32, #tpu.memory_space<vmem>>, vector<128x128xf32>
    tpu.vector_store %arg3[%swap3A_137, %swap3A_138], %concatenate3A_136 {strides = array<i32>} : memref<10240x128xf32, #tpu.memory_space<vmem>>, vector<128x128xf32>,
    %get3A_140 = arith.constant 0 : index
    %get3A_141 = arith.constant 1536 : index
    %get3A_142 = vector.load %arg1[%get3A_140, %get3A_141] : memref<64x10240xf32, #tpu.memory_space<vmem>>, vector<64x128xf32>
    %transpose3A_143 = tpu.transpose %get3A_142, [1, 0] : vector<64x128xf32> -> vector<128x64xf32>
    %get3A_144 = arith.constant 0 : index
    %get3A_145 = arith.constant 1536 : index
    %get3A_146 = vector.load %arg2[%get3A_144, %get3A_145] : memref<64x10240xf32, #tpu.memory_space<vmem>>, vector<64x128xf32>
    %transpose3A_147 = tpu.transpose %get3A_146, [1, 0] : vector<64x128xf32> -> vector<128x64xf32>
    %concatenate3A_148 = tpu.concatenate %transpose3A_143, %transpose3A_147 in 1 : vector<128x64xf32>, vector<128x64xf32> -> vector<128x128xf32>
    %swap3A_149 = arith.constant 1536 : index
    %swap3A_150 = arith.constant 0 : index
    %swap3A_151 = vector.load %arg3[%swap3A_149, %swap3A_150] : memref<10240x128xf32, #tpu.memory_space<vmem>>, vector<128x128xf32>
    tpu.vector_store %arg3[%swap3A_149, %swap3A_150], %concatenate3A_148 {strides = array<i32>} : memref<10240x128xf32, #tpu.memory_space<vmem>>, vector<128x128xf32>,
    %get3A_152 = arith.constant 0 : index
    %get3A_153 = arith.constant 1664 : index
    %get3A_154 = vector.load %arg1[%get3A_152, %get3A_153] : memref<64x10240xf32, #tpu.memory_space<vmem>>, vector<64x128xf32>
    %transpose3A_155 = tpu.transpose %get3A_154, [1, 0] : vector<64x128xf32> -> vector<128x64xf32>
    %get3A_156 = arith.constant 0 : index
    %get3A_157 = arith.constant 1664 : index
    %get3A_158 = vector.load %arg2[%get3A_156, %get3A_157] : memref<64x10240xf32, #tpu.memory_space<vmem>>, vector<64x128xf32>
    %transpose3A_159 = tpu.transpose %get3A_158, [1, 0] : vector<64x128xf32> -> vector<128x64xf32>
    %concatenate3A_160 = tpu.concatenate %transpose3A_155, %transpose3A_159 in 1 : vector<128x64xf32>, vector<128x64xf32> -> vector<128x128xf32>
    %swap3A_161 = arith.constant 1664 : index
    %swap3A_162 = arith.constant 0 : index
    %swap3A_163 = vector.load %arg3[%swap3A_161, %swap3A_162] : memref<10240x128xf32, #tpu.memory_space<vmem>>, vector<128x128xf32>
    tpu.vector_store %arg3[%swap3A_161, %swap3A_162], %concatenate3A_160 {strides = array<i32>} : memref<10240x128xf32, #tpu.memory_space<vmem>>, vector<128x128xf32>,
    %get3A_164 = arith.constant 0 : index
    %get3A_165 = arith.constant 1792 : index
    %get3A_166 = vector.load %arg1[%get3A_164, %get3A_165] : memref<64x10240xf32, #tpu.memory_space<vmem>>, vector<64x128xf32>
    %transpose3A_167 = tpu.transpose %get3A_166, [1, 0] : vector<64x128xf32> -> vector<128x64xf32>
    %get3A_168 = arith.constant 0 : index
    %get3A_169 = arith.constant 1792 : index
    %get3A_170 = vector.load %arg2[%get3A_168, %get3A_169] : memref<64x10240xf32, #tpu.memory_space<vmem>>, vector<64x128xf32>
    %transpose3A_171 = tpu.transpose %get3A_170, [1, 0] : vector<64x128xf32> -> vector<128x64xf32>
    %concatenate3A_172 = tpu.concatenate %transpose3A_167, %transpose3A_171 in 1 : vector<128x64xf32>, vector<128x64xf32> -> vector<128x128xf32>
    %swap3A_173 = arith.constant 1792 : index
    %swap3A_174 = arith.constant 0 : index
    %swap3A_175 = vector.load %arg3[%swap3A_173, %swap3A_174] : memref<10240x128xf32, #tpu.memory_space<vmem>>, vector<128x128xf32>
    tpu.vector_store %arg3[%swap3A_173, %swap3A_174], %concatenate3A_172 {strides = array<i32>} : memref<10240x128xf32, #tpu.memory_space<vmem>>, vector<128x128xf32>,
    %get3A_176 = arith.constant 0 : index
    %get3A_177 = arith.constant 1920 : index
    %get3A_178 = vector.load %arg1[%get3A_176, %get3A_177] : memref<64x10240xf32, #tpu.memory_space<vmem>>, vector<64x128xf32>
    %transpose3A_179 = tpu.transpose %get3A_178, [1, 0] : vector<64x128xf32> -> vector<128x64xf32>
    %get3A_180 = arith.constant 0 : index
    %get3A_181 = arith.constant 1920 : index
    %get3A_182 = vector.load %arg2[%get3A_180, %get3A_181] : memref<64x10240xf32, #tpu.memory_space<vmem>>, vector<64x128xf32>
    %transpose3A_183 = tpu.transpose %get3A_182, [1, 0] : vector<64x128xf32> -> vector<128x64xf32>
    %concatenate3A_184 = tpu.concatenate %transpose3A_179, %transpose3A_183 in 1 : vector<128x64xf32>, vector<128x64xf32> -> vector<128x128xf32>
    %swap3A_185 = arith.constant 1920 : index
    %swap3A_186 = arith.constant 0 : index
    %swap3A_187 = vector.load %arg3[%swap3A_185, %swap3A_186] : memref<10240x128xf32, #tpu.memory_space<vmem>>, vector<128x128xf32>
    tpu.vector_store %arg3[%swap3A_185, %swap3A_186], %concatenate3A_184 {strides = array<i32>} : memref<10240x128xf32, #tpu.memory_space<vmem>>, vector<128x128xf32>,
    %get3A_188 = arith.constant 0 : index
    %get3A_189 = arith.constant 2048 : index
    %get3A_190 = vector.load %arg1[%get3A_188, %get3A_189] : memref<64x10240xf32, #tpu.memory_space<vmem>>, vector<64x128xf32>
    %transpose3A_191 = tpu.transpose %get3A_190, [1, 0] : vector<64x128xf32> -> vector<128x64xf32>
    %get3A_192 = arith.constant 0 : index
    %get3A_193 = arith.constant 2048 : index
    %get3A_194 = vector.load %arg2[%get3A_192, %get3A_193] : memref<64x10240xf32, #tpu.memory_space<vmem>>, vector<64x128xf32>
    %transpose3A_195 = tpu.transpose %get3A_194, [1, 0] : vector<64x128xf32> -> vector<128x64xf32>
    %concatenate3A_196 = tpu.concatenate %transpose3A_191, %transpose3A_195 in 1 : vector<128x64xf32>, vector<128x64xf32> -> vector<128x128xf32>
    %swap3A_197 = arith.constant 2048 : index
    %swap3A_198 = arith.constant 0 : index
    %swap3A_199 = vector.load %arg3[%swap3A_197, %swap3A_198] : memref<10240x128xf32, #tpu.memory_space<vmem>>, vector<128x128xf32>
    tpu.vector_store %arg3[%swap3A_197, %swap3A_198], %concatenate3A_196 {strides = array<i32>} : memref<10240x128xf32, #tpu.memory_space<vmem>>, vector<128x128xf32>,
    %get3A_200 = arith.constant 0 : index
    %get3A_201 = arith.constant 2176 : index
    %get3A_202 = vector.load %arg1[%get3A_200, %get3A_201] : memref<64x10240xf32, #tpu.memory_space<vmem>>, vector<64x128xf32>
    %transpose3A_203 = tpu.transpose %get3A_202, [1, 0] : vector<64x128xf32> -> vector<128x64xf32>
    %get3A_204 = arith.constant 0 : index
    %get3A_205 = arith.constant 2176 : index
    %get3A_206 = vector.load %arg2[%get3A_204, %get3A_205] : memref<64x10240xf32, #tpu.memory_space<vmem>>, vector<64x128xf32>
    %transpose3A_207 = tpu.transpose %get3A_206, [1, 0] : vector<64x128xf32> -> vector<128x64xf32>
    %concatenate3A_208 = tpu.concatenate %transpose3A_203, %transpose3A_207 in 1 : vector<128x64xf32>, vector<128x64xf32> -> vector<128x128xf32>
    %swap3A_209 = arith.constant 2176 : index
    %swap3A_210 = arith.constant 0 : index
    %swap3A_211 = vector.load %arg3[%swap3A_209, %swap3A_210] : memref<10240x128xf32, #tpu.memory_space<vmem>>, vector<128x128xf32>
    tpu.vector_store %arg3[%swap3A_209, %swap3A_210], %concatenate3A_208 {strides = array<i32>} : memref<10240x128xf32, #tpu.memory_space<vmem>>, vector<128x128xf32>,
    %get3A_212 = arith.constant 0 : index
    %get3A_213 = arith.constant 2304 : index
    %get3A_214 = vector.load %arg1[%get3A_212, %get3A_213] : memref<64x10240xf32, #tpu.memory_space<vmem>>, vector<64x128xf32>
    %transpose3A_215 = tpu.transpose %get3A_214, [1, 0] : vector<64x128xf32> -> vector<128x64xf32>
    %get3A_216 = arith.constant 0 : index
    %get3A_217 = arith.constant 2304 : index
    %get3A_218 = vector.load %arg2[%get3A_216, %get3A_217] : memref<64x10240xf32, #tpu.memory_space<vmem>>, vector<64x128xf32>
    %transpose3A_219 = tpu.transpose %get3A_218, [1, 0] : vector<64x128xf32> -> vector<128x64xf32>
    %concatenate3A_220 = tpu.concatenate %transpose3A_215, %transpose3A_219 in 1 : vector<128x64xf32>, vector<128x64xf32> -> vector<128x128xf32>
    %swap3A_221 = arith.constant 2304 : index
    %swap3A_222 = arith.constant 0 : index
    %swap3A_223 = vector.load %arg3[%swap3A_221, %swap3A_222] : memref<10240x128xf32, #tpu.memory_space<vmem>>, vector<128x128xf32>
    tpu.vector_store %arg3[%swap3A_221, %swap3A_222], %concatenate3A_220 {strides = array<i32>} : memref<10240x128xf32, #tpu.memory_space<vmem>>, vector<128x128xf32>,
    %get3A_224 = arith.constant 0 : index
    %get3A_225 = arith.constant 2432 : index
    %get3A_226 = vector.load %arg1[%get3A_224, %get3A_225] : memref<64x10240xf32, #tpu.memory_space<vmem>>, vector<64x128xf32>
    %transpose3A_227 = tpu.transpose %get3A_226, [1, 0] : vector<64x128xf32> -> vector<128x64xf32>
    %get3A_228 = arith.constant 0 : index
    %get3A_229 = arith.constant 2432 : index
    %get3A_230 = vector.load %arg2[%get3A_228, %get3A_229] : memref<64x10240xf32, #tpu.memory_space<vmem>>, vector<64x128xf32>
    %transpose3A_231 = tpu.transpose %get3A_230, [1, 0] : vector<64x128xf32> -> vector<128x64xf32>
    %concatenate3A_232 = tpu.concatenate %transpose3A_227, %transpose3A_231 in 1 : vector<128x64xf32>, vector<128x64xf32> -> vector<128x128xf32>
    %swap3A_233 = arith.constant 2432 : index
    %swap3A_234 = arith.constant 0 : index
    %swap3A_235 = vector.load %arg3[%swap3A_233, %swap3A_234] : memref<10240x128xf32, #tpu.memory_space<vmem>>, vector<128x128xf32>
    tpu.vector_store %arg3[%swap3A_233, %swap3A_234], %concatenate3A_232 {strides = array<i32>} : memref<10240x128xf32, #tpu.memory_space<vmem>>, vector<128x128xf32>,
    %get3A_236 = arith.constant 0 : index
    %get3A_237 = arith.constant 2560 : index
    %get3A_238 = vector.load %arg1[%get3A_236, %get3A_237] : memref<64x10240xf32, #tpu.memory_space<vmem>>, vector<64x128xf32>
    %transpose3A_239 = tpu.transpose %get3A_238, [1, 0] : vector<64x128xf32> -> vector<128x64xf32>
    %get3A_240 = arith.constant 0 : index
    %get3A_241 = arith.constant 2560 : index
    %get3A_242 = vector.load %arg2[%get3A_240, %get3A_241] : memref<64x10240xf32, #tpu.memory_space<vmem>>, vector<64x128xf32>
    %transpose3A_243 = tpu.transpose %get3A_242, [1, 0] : vector<64x128xf32> -> vector<128x64xf32>
    %concatenate3A_244 = tpu.concatenate %transpose3A_239, %transpose3A_243 in 1 : vector<128x64xf32>, vector<128x64xf32> -> vector<128x128xf32>
    %swap3A_245 = arith.constant 2560 : index
    %swap3A_246 = arith.constant 0 : index
    %swap3A_247 = vector.load %arg3[%swap3A_245, %swap3A_246] : memref<10240x128xf32, #tpu.memory_space<vmem>>, vector<128x128xf32>
    tpu.vector_store %arg3[%swap3A_245, %swap3A_246], %concatenate3A_244 {strides = array<i32>} : memref<10240x128xf32, #tpu.memory_space<vmem>>, vector<128x128xf32>,
    %get3A_248 = arith.constant 0 : index
    %get3A_249 = arith.constant 2688 : index
    %get3A_250 = vector.load %arg1[%get3A_248, %get3A_249] : memref<64x10240xf32, #tpu.memory_space<vmem>>, vector<64x128xf32>
    %transpose3A_251 = tpu.transpose %get3A_250, [1, 0] : vector<64x128xf32> -> vector<128x64xf32>
    %get3A_252 = arith.constant 0 : index
    %get3A_253 = arith.constant 2688 : index
    %get3A_254 = vector.load %arg2[%get3A_252, %get3A_253] : memref<64x10240xf32, #tpu.memory_space<vmem>>, vector<64x128xf32>
    %transpose3A_255 = tpu.transpose %get3A_254, [1, 0] : vector<64x128xf32> -> vector<128x64xf32>
    %concatenate3A_256 = tpu.concatenate %transpose3A_251, %transpose3A_255 in 1 : vector<128x64xf32>, vector<128x64xf32> -> vector<128x128xf32>
    %swap3A_257 = arith.constant 2688 : index
    %swap3A_258 = arith.constant 0 : index
    %swap3A_259 = vector.load %arg3[%swap3A_257, %swap3A_258] : memref<10240x128xf32, #tpu.memory_space<vmem>>, vector<128x128xf32>
    tpu.vector_store %arg3[%swap3A_257, %swap3A_258], %concatenate3A_256 {strides = array<i32>} : memref<10240x128xf32, #tpu.memory_space<vmem>>, vector<128x128xf32>,
    %get3A_260 = arith.constant 0 : index
    %get3A_261 = arith.constant 2816 : index
    %get3A_262 = vector.load %arg1[%get3A_260, %get3A_261] : memref<64x10240xf32, #tpu.memory_space<vmem>>, vector<64x128xf32>
    %transpose3A_263 = tpu.transpose %get3A_262, [1, 0] : vector<64x128xf32> -> vector<128x64xf32>
    %get3A_264 = arith.constant 0 : index
    %get3A_265 = arith.constant 2816 : index
    %get3A_266 = vector.load %arg2[%get3A_264, %get3A_265] : memref<64x10240xf32, #tpu.memory_space<vmem>>, vector<64x128xf32>
    %transpose3A_267 = tpu.transpose %get3A_266, [1, 0] : vector<64x128xf32> -> vector<128x64xf32>
    %concatenate3A_268 = tpu.concatenate %transpose3A_263, %transpose3A_267 in 1 : vector<128x64xf32>, vector<128x64xf32> -> vector<128x128xf32>
    %swap3A_269 = arith.constant 2816 : index
    %swap3A_270 = arith.constant 0 : index
    %swap3A_271 = vector.load %arg3[%swap3A_269, %swap3A_270] : memref<10240x128xf32, #tpu.memory_space<vmem>>, vector<128x128xf32>
    tpu.vector_store %arg3[%swap3A_269, %swap3A_270], %concatenate3A_268 {strides = array<i32>} : memref<10240x128xf32, #tpu.memory_space<vmem>>, vector<128x128xf32>,
    %get3A_272 = arith.constant 0 : index
    %get3A_273 = arith.constant 2944 : index
    %get3A_274 = vector.load %arg1[%get3A_272, %get3A_273] : memref<64x10240xf32, #tpu.memory_space<vmem>>, vector<64x128xf32>
    %transpose3A_275 = tpu.transpose %get3A_274, [1, 0] : vector<64x128xf32> -> vector<128x64xf32>
    %get3A_276 = arith.constant 0 : index
    %get3A_277 = arith.constant 2944 : index
    %get3A_278 = vector.load %arg2[%get3A_276, %get3A_277] : memref<64x10240xf32, #tpu.memory_space<vmem>>, vector<64x128xf32>
    %transpose3A_279 = tpu.transpose %get3A_278, [1, 0] : vector<64x128xf32> -> vector<128x64xf32>
    %concatenate3A_280 = tpu.concatenate %transpose3A_275, %transpose3A_279 in 1 : vector<128x64xf32>, vector<128x64xf32> -> vector<128x128xf32>
    %swap3A_281 = arith.constant 2944 : index
    %swap3A_282 = arith.constant 0 : index
    %swap3A_283 = vector.load %arg3[%swap3A_281, %swap3A_282] : memref<10240x128xf32, #tpu.memory_space<vmem>>, vector<128x128xf32>
    tpu.vector_store %arg3[%swap3A_281, %swap3A_282], %concatenate3A_280 {strides = array<i32>} : memref<10240x128xf32, #tpu.memory_space<vmem>>, vector<128x128xf32>,
    %get3A_284 = arith.constant 0 : index
    %get3A_285 = arith.constant 3072 : index
    %get3A_286 = vector.load %arg1[%get3A_284, %get3A_285] : memref<64x10240xf32, #tpu.memory_space<vmem>>, vector<64x128xf32>
    %transpose3A_287 = tpu.transpose %get3A_286, [1, 0] : vector<64x128xf32> -> vector<128x64xf32>
    %get3A_288 = arith.constant 0 : index
    %get3A_289 = arith.constant 3072 : index
    %get3A_290 = vector.load %arg2[%get3A_288, %get3A_289] : memref<64x10240xf32, #tpu.memory_space<vmem>>, vector<64x128xf32>
    %transpose3A_291 = tpu.transpose %get3A_290, [1, 0] : vector<64x128xf32> -> vector<128x64xf32>
    %concatenate3A_292 = tpu.concatenate %transpose3A_287, %transpose3A_291 in 1 : vector<128x64xf32>, vector<128x64xf32> -> vector<128x128xf32>
    %swap3A_293 = arith.constant 3072 : index
    %swap3A_294 = arith.constant 0 : index
    %swap3A_295 = vector.load %arg3[%swap3A_293, %swap3A_294] : memref<10240x128xf32, #tpu.memory_space<vmem>>, vector<128x128xf32>
    tpu.vector_store %arg3[%swap3A_293, %swap3A_294], %concatenate3A_292 {strides = array<i32>} : memref<10240x128xf32, #tpu.memory_space<vmem>>, vector<128x128xf32>,
    %get3A_296 = arith.constant 0 : index
    %get3A_297 = arith.constant 3200 : index
    %get3A_298 = vector.load %arg1[%get3A_296, %get3A_297] : memref<64x10240xf32, #tpu.memory_space<vmem>>, vector<64x128xf32>
    %transpose3A_299 = tpu.transpose %get3A_298, [1, 0] : vector<64x128xf32> -> vector<128x64xf32>
    %get3A_300 = arith.constant 0 : index
    %get3A_301 = arith.constant 3200 : index
    %get3A_302 = vector.load %arg2[%get3A_300, %get3A_301] : memref<64x10240xf32, #tpu.memory_space<vmem>>, vector<64x128xf32>
    %transpose3A_303 = tpu.transpose %get3A_302, [1, 0] : vector<64x128xf32> -> vector<128x64xf32>
    %concatenate3A_304 = tpu.concatenate %transpose3A_299, %transpose3A_303 in 1 : vector<128x64xf32>, vector<128x64xf32> -> vector<128x128xf32>
    %swap3A_305 = arith.constant 3200 : index
    %swap3A_306 = arith.constant 0 : index
    %swap3A_307 = vector.load %arg3[%swap3A_305, %swap3A_306] : memref<10240x128xf32, #tpu.memory_space<vmem>>, vector<128x128xf32>
    tpu.vector_store %arg3[%swap3A_305, %swap3A_306], %concatenate3A_304 {strides = array<i32>} : memref<10240x128xf32, #tpu.memory_space<vmem>>, vector<128x128xf32>,
    %get3A_308 = arith.constant 0 : index
    %get3A_309 = arith.constant 3328 : index
    %get3A_310 = vector.load %arg1[%get3A_308, %get3A_309] : memref<64x10240xf32, #tpu.memory_space<vmem>>, vector<64x128xf32>
    %transpose3A_311 = tpu.transpose %get3A_310, [1, 0] : vector<64x128xf32> -> vector<128x64xf32>
    %get3A_312 = arith.constant 0 : index
    %get3A_313 = arith.constant 3328 : index
    %get3A_314 = vector.load %arg2[%get3A_312, %get3A_313] : memref<64x10240xf32, #tpu.memory_space<vmem>>, vector<64x128xf32>
    %transpose3A_315 = tpu.transpose %get3A_314, [1, 0] : vector<64x128xf32> -> vector<128x64xf32>
    %concatenate3A_316 = tpu.concatenate %transpose3A_311, %transpose3A_315 in 1 : vector<128x64xf32>, vector<128x64xf32> -> vector<128x128xf32>
    %swap3A_317 = arith.constant 3328 : index
    %swap3A_318 = arith.constant 0 : index
    %swap3A_319 = vector.load %arg3[%swap3A_317, %swap3A_318] : memref<10240x128xf32, #tpu.memory_space<vmem>>, vector<128x128xf32>
    tpu.vector_store %arg3[%swap3A_317, %swap3A_318], %concatenate3A_316 {strides = array<i32>} : memref<10240x128xf32, #tpu.memory_space<vmem>>, vector<128x128xf32>,
    %get3A_320 = arith.constant 0 : index
    %get3A_321 = arith.constant 3456 : index
    %get3A_322 = vector.load %arg1[%get3A_320, %get3A_321] : memref<64x10240xf32, #tpu.memory_space<vmem>>, vector<64x128xf32>
    %transpose3A_323 = tpu.transpose %get3A_322, [1, 0] : vector<64x128xf32> -> vector<128x64xf32>
    %get3A_324 = arith.constant 0 : index
    %get3A_325 = arith.constant 3456 : index
    %get3A_326 = vector.load %arg2[%get3A_324, %get3A_325] : memref<64x10240xf32, #tpu.memory_space<vmem>>, vector<64x128xf32>
    %transpose3A_327 = tpu.transpose %get3A_326, [1, 0] : vector<64x128xf32> -> vector<128x64xf32>
    %concatenate3A_328 = tpu.concatenate %transpose3A_323, %transpose3A_327 in 1 : vector<128x64xf32>, vector<128x64xf32> -> vector<128x128xf32>
    %swap3A_329 = arith.constant 3456 : index
    %swap3A_330 = arith.constant 0 : index
    %swap3A_331 = vector.load %arg3[%swap3A_329, %swap3A_330] : memref<10240x128xf32, #tpu.memory_space<vmem>>, vector<128x128xf32>
    tpu.vector_store %arg3[%swap3A_329, %swap3A_330], %concatenate3A_328 {strides = array<i32>} : memref<10240x128xf32, #tpu.memory_space<vmem>>, vector<128x128xf32>,
    %get3A_332 = arith.constant 0 : index
    %get3A_333 = arith.constant 3584 : index
    %get3A_334 = vector.load %arg1[%get3A_332, %get3A_333] : memref<64x10240xf32, #tpu.memory_space<vmem>>, vector<64x128xf32>
    %transpose3A_335 = tpu.transpose %get3A_334, [1, 0] : vector<64x128xf32> -> vector<128x64xf32>
    %get3A_336 = arith.constant 0 : index
    %get3A_337 = arith.constant 3584 : index
    %get3A_338 = vector.load %arg2[%get3A_336, %get3A_337] : memref<64x10240xf32, #tpu.memory_space<vmem>>, vector<64x128xf32>
    %transpose3A_339 = tpu.transpose %get3A_338, [1, 0] : vector<64x128xf32> -> vector<128x64xf32>
    %concatenate3A_340 = tpu.concatenate %transpose3A_335, %transpose3A_339 in 1 : vector<128x64xf32>, vector<128x64xf32> -> vector<128x128xf32>
    %swap3A_341 = arith.constant 3584 : index
    %swap3A_342 = arith.constant 0 : index
    %swap3A_343 = vector.load %arg3[%swap3A_341, %swap3A_342] : memref<10240x128xf32, #tpu.memory_space<vmem>>, vector<128x128xf32>
    tpu.vector_store %arg3[%swap3A_341, %swap3A_342], %concatenate3A_340 {strides = array<i32>} : memref<10240x128xf32, #tpu.memory_space<vmem>>, vector<128x128xf32>,
    %get3A_344 = arith.constant 0 : index
    %get3A_345 = arith.constant 3712 : index
    %get3A_346 = vector.load %arg1[%get3A_344, %get3A_345] : memref<64x10240xf32, #tpu.memory_space<vmem>>, vector<64x128xf32>
    %transpose3A_347 = tpu.transpose %get3A_346, [1, 0] : vector<64x128xf32> -> vector<128x64xf32>
    %get3A_348 = arith.constant 0 : index
    %get3A_349 = arith.constant 3712 : index
    %get3A_350 = vector.load %arg2[%get3A_348, %get3A_349] : memref<64x10240xf32, #tpu.memory_space<vmem>>, vector<64x128xf32>
    %transpose3A_351 = tpu.transpose %get3A_350, [1, 0] : vector<64x128xf32> -> vector<128x64xf32>
    %concatenate3A_352 = tpu.concatenate %transpose3A_347, %transpose3A_351 in 1 : vector<128x64xf32>, vector<128x64xf32> -> vector<128x128xf32>
    %swap3A_353 = arith.constant 3712 : index
    %swap3A_354 = arith.constant 0 : index
    %swap3A_355 = vector.load %arg3[%swap3A_353, %swap3A_354] : memref<10240x128xf32, #tpu.memory_space<vmem>>, vector<128x128xf32>
    tpu.vector_store %arg3[%swap3A_353, %swap3A_354], %concatenate3A_352 {strides = array<i32>} : memref<10240x128xf32, #tpu.memory_space<vmem>>, vector<128x128xf32>,
    %get3A_356 = arith.constant 0 : index
    %get3A_357 = arith.constant 3840 : index
    %get3A_358 = vector.load %arg1[%get3A_356, %get3A_357] : memref<64x10240xf32, #tpu.memory_space<vmem>>, vector<64x128xf32>
    %transpose3A_359 = tpu.transpose %get3A_358, [1, 0] : vector<64x128xf32> -> vector<128x64xf32>
    %get3A_360 = arith.constant 0 : index
    %get3A_361 = arith.constant 3840 : index
    %get3A_362 = vector.load %arg2[%get3A_360, %get3A_361] : memref<64x10240xf32, #tpu.memory_space<vmem>>, vector<64x128xf32>
    %transpose3A_363 = tpu.transpose %get3A_362, [1, 0] : vector<64x128xf32> -> vector<128x64xf32>
    %concatenate3A_364 = tpu.concatenate %transpose3A_359, %transpose3A_363 in 1 : vector<128x64xf32>, vector<128x64xf32> -> vector<128x128xf32>
    %swap3A_365 = arith.constant 3840 : index
    %swap3A_366 = arith.constant 0 : index
    %swap3A_367 = vector.load %arg3[%swap3A_365, %swap3A_366] : memref<10240x128xf32, #tpu.memory_space<vmem>>, vector<128x128xf32>
    tpu.vector_store %arg3[%swap3A_365, %swap3A_366], %concatenate3A_364 {strides = array<i32>} : memref<10240x128xf32, #tpu.memory_space<vmem>>, vector<128x128xf32>,
    %get3A_368 = arith.constant 0 : index
    %get3A_369 = arith.constant 3968 : index
    %get3A_370 = vector.load %arg1[%get3A_368, %get3A_369] : memref<64x10240xf32, #tpu.memory_space<vmem>>, vector<64x128xf32>
    %transpose3A_371 = tpu.transpose %get3A_370, [1, 0] : vector<64x128xf32> -> vector<128x64xf32>
    %get3A_372 = arith.constant 0 : index
    %get3A_373 = arith.constant 3968 : index
    %get3A_374 = vector.load %arg2[%get3A_372, %get3A_373] : memref<64x10240xf32, #tpu.memory_space<vmem>>, vector<64x128xf32>
    %transpose3A_375 = tpu.transpose %get3A_374, [1, 0] : vector<64x128xf32> -> vector<128x64xf32>
    %concatenate3A_376 = tpu.concatenate %transpose3A_371, %transpose3A_375 in 1 : vector<128x64xf32>, vector<128x64xf32> -> vector<128x128xf32>
    %swap3A_377 = arith.constant 3968 : index
    %swap3A_378 = arith.constant 0 : index
    %swap3A_379 = vector.load %arg3[%swap3A_377, %swap3A_378] : memref<10240x128xf32, #tpu.memory_space<vmem>>, vector<128x128xf32>
    tpu.vector_store %arg3[%swap3A_377, %swap3A_378], %concatenate3A_376 {strides = array<i32>} : memref<10240x128xf32, #tpu.memory_space<vmem>>, vector<128x128xf32>,
    %get3A_380 = arith.constant 0 : index
    %get3A_381 = arith.constant 4096 : index
    %get3A_382 = vector.load %arg1[%get3A_380, %get3A_381] : memref<64x10240xf32, #tpu.memory_space<vmem>>, vector<64x128xf32>
    %transpose3A_383 = tpu.transpose %get3A_382, [1, 0] : vector<64x128xf32> -> vector<128x64xf32>
    %get3A_384 = arith.constant 0 : index
    %get3A_385 = arith.constant 4096 : index
    %get3A_386 = vector.load %arg2[%get3A_384, %get3A_385] : memref<64x10240xf32, #tpu.memory_space<vmem>>, vector<64x128xf32>
    %transpose3A_387 = tpu.transpose %get3A_386, [1, 0] : vector<64x128xf32> -> vector<128x64xf32>
    %concatenate3A_388 = tpu.concatenate %transpose3A_383, %transpose3A_387 in 1 : vector<128x64xf32>, vector<128x64xf32> -> vector<128x128xf32>
    %swap3A_389 = arith.constant 4096 : index
    %swap3A_390 = arith.constant 0 : index
    %swap3A_391 = vector.load %arg3[%swap3A_389, %swap3A_390] : memref<10240x128xf32, #tpu.memory_space<vmem>>, vector<128x128xf32>
    tpu.vector_store %arg3[%swap3A_389, %swap3A_390], %concatenate3A_388 {strides = array<i32>} : memref<10240x128xf32, #tpu.memory_space<vmem>>, vector<128x128xf32>,
    %get3A_392 = arith.constant 0 : index
    %get3A_393 = arith.constant 4224 : index
    %get3A_394 = vector.load %arg1[%get3A_392, %get3A_393] : memref<64x10240xf32, #tpu.memory_space<vmem>>, vector<64x128xf32>
    %transpose3A_395 = tpu.transpose %get3A_394, [1, 0] : vector<64x128xf32> -> vector<128x64xf32>
    %get3A_396 = arith.constant 0 : index
    %get3A_397 = arith.constant 4224 : index
    %get3A_398 = vector.load %arg2[%get3A_396, %get3A_397] : memref<64x10240xf32, #tpu.memory_space<vmem>>, vector<64x128xf32>
    %transpose3A_399 = tpu.transpose %get3A_398, [1, 0] : vector<64x128xf32> -> vector<128x64xf32>
    %concatenate3A_400 = tpu.concatenate %transpose3A_395, %transpose3A_399 in 1 : vector<128x64xf32>, vector<128x64xf32> -> vector<128x128xf32>
    %swap3A_401 = arith.constant 4224 : index
    %swap3A_402 = arith.constant 0 : index
    %swap3A_403 = vector.load %arg3[%swap3A_401, %swap3A_402] : memref<10240x128xf32, #tpu.memory_space<vmem>>, vector<128x128xf32>
    tpu.vector_store %arg3[%swap3A_401, %swap3A_402], %concatenate3A_400 {strides = array<i32>} : memref<10240x128xf32, #tpu.memory_space<vmem>>, vector<128x128xf32>,
    %get3A_404 = arith.constant 0 : index
    %get3A_405 = arith.constant 4352 : index
    %get3A_406 = vector.load %arg1[%get3A_404, %get3A_405] : memref<64x10240xf32, #tpu.memory_space<vmem>>, vector<64x128xf32>
    %transpose3A_407 = tpu.transpose %get3A_406, [1, 0] : vector<64x128xf32> -> vector<128x64xf32>
    %get3A_408 = arith.constant 0 : index
    %get3A_409 = arith.constant 4352 : index
    %get3A_410 = vector.load %arg2[%get3A_408, %get3A_409] : memref<64x10240xf32, #tpu.memory_space<vmem>>, vector<64x128xf32>
    %transpose3A_411 = tpu.transpose %get3A_410, [1, 0] : vector<64x128xf32> -> vector<128x64xf32>
    %concatenate3A_412 = tpu.concatenate %transpose3A_407, %transpose3A_411 in 1 : vector<128x64xf32>, vector<128x64xf32> -> vector<128x128xf32>
    %swap3A_413 = arith.constant 4352 : index
    %swap3A_414 = arith.constant 0 : index
    %swap3A_415 = vector.load %arg3[%swap3A_413, %swap3A_414] : memref<10240x128xf32, #tpu.memory_space<vmem>>, vector<128x128xf32>
    tpu.vector_store %arg3[%swap3A_413, %swap3A_414], %concatenate3A_412 {strides = array<i32>} : memref<10240x128xf32, #tpu.memory_space<vmem>>, vector<128x128xf32>,
    %get3A_416 = arith.constant 0 : index
    %get3A_417 = arith.constant 4480 : index
    %get3A_418 = vector.load %arg1[%get3A_416, %get3A_417] : memref<64x10240xf32, #tpu.memory_space<vmem>>, vector<64x128xf32>
    %transpose3A_419 = tpu.transpose %get3A_418, [1, 0] : vector<64x128xf32> -> vector<128x64xf32>
    %get3A_420 = arith.constant 0 : index
    %get3A_421 = arith.constant 4480 : index
    %get3A_422 = vector.load %arg2[%get3A_420, %get3A_421] : memref<64x10240xf32, #tpu.memory_space<vmem>>, vector<64x128xf32>
    %transpose3A_423 = tpu.transpose %get3A_422, [1, 0] : vector<64x128xf32> -> vector<128x64xf32>
    %concatenate3A_424 = tpu.concatenate %transpose3A_419, %transpose3A_423 in 1 : vector<128x64xf32>, vector<128x64xf32> -> vector<128x128xf32>
    %swap3A_425 = arith.constant 4480 : index
    %swap3A_426 = arith.constant 0 : index
    %swap3A_427 = vector.load %arg3[%swap3A_425, %swap3A_426] : memref<10240x128xf32, #tpu.memory_space<vmem>>, vector<128x128xf32>
    tpu.vector_store %arg3[%swap3A_425, %swap3A_426], %concatenate3A_424 {strides = array<i32>} : memref<10240x128xf32, #tpu.memory_space<vmem>>, vector<128x128xf32>,
    %get3A_428 = arith.constant 0 : index
    %get3A_429 = arith.constant 4608 : index
    %get3A_430 = vector.load %arg1[%get3A_428, %get3A_429] : memref<64x10240xf32, #tpu.memory_space<vmem>>, vector<64x128xf32>
    %transpose3A_431 = tpu.transpose %get3A_430, [1, 0] : vector<64x128xf32> -> vector<128x64xf32>
    %get3A_432 = arith.constant 0 : index
    %get3A_433 = arith.constant 4608 : index
    %get3A_434 = vector.load %arg2[%get3A_432, %get3A_433] : memref<64x10240xf32, #tpu.memory_space<vmem>>, vector<64x128xf32>
    %transpose3A_435 = tpu.transpose %get3A_434, [1, 0] : vector<64x128xf32> -> vector<128x64xf32>
    %concatenate3A_436 = tpu.concatenate %transpose3A_431, %transpose3A_435 in 1 : vector<128x64xf32>, vector<128x64xf32> -> vector<128x128xf32>
    %swap3A_437 = arith.constant 4608 : index
    %swap3A_438 = arith.constant 0 : index
    %swap3A_439 = vector.load %arg3[%swap3A_437, %swap3A_438] : memref<10240x128xf32, #tpu.memory_space<vmem>>, vector<128x128xf32>
    tpu.vector_store %arg3[%swap3A_437, %swap3A_438], %concatenate3A_436 {strides = array<i32>} : memref<10240x128xf32, #tpu.memory_space<vmem>>, vector<128x128xf32>,
    %get3A_440 = arith.constant 0 : index
    %get3A_441 = arith.constant 4736 : index
    %get3A_442 = vector.load %arg1[%get3A_440, %get3A_441] : memref<64x10240xf32, #tpu.memory_space<vmem>>, vector<64x128xf32>
    %transpose3A_443 = tpu.transpose %get3A_442, [1, 0] : vector<64x128xf32> -> vector<128x64xf32>
    %get3A_444 = arith.constant 0 : index
    %get3A_445 = arith.constant 4736 : index
    %get3A_446 = vector.load %arg2[%get3A_444, %get3A_445] : memref<64x10240xf32, #tpu.memory_space<vmem>>, vector<64x128xf32>
    %transpose3A_447 = tpu.transpose %get3A_446, [1, 0] : vector<64x128xf32> -> vector<128x64xf32>
    %concatenate3A_448 = tpu.concatenate %transpose3A_443, %transpose3A_447 in 1 : vector<128x64xf32>, vector<128x64xf32> -> vector<128x128xf32>
    %swap3A_449 = arith.constant 4736 : index
    %swap3A_450 = arith.constant 0 : index
    %swap3A_451 = vector.load %arg3[%swap3A_449, %swap3A_450] : memref<10240x128xf32, #tpu.memory_space<vmem>>, vector<128x128xf32>
    tpu.vector_store %arg3[%swap3A_449, %swap3A_450], %concatenate3A_448 {strides = array<i32>} : memref<10240x128xf32, #tpu.memory_space<vmem>>, vector<128x128xf32>,
    %get3A_452 = arith.constant 0 : index
    %get3A_453 = arith.constant 4864 : index
    %get3A_454 = vector.load %arg1[%get3A_452, %get3A_453] : memref<64x10240xf32, #tpu.memory_space<vmem>>, vector<64x128xf32>
    %transpose3A_455 = tpu.transpose %get3A_454, [1, 0] : vector<64x128xf32> -> vector<128x64xf32>
    %get3A_456 = arith.constant 0 : index
    %get3A_457 = arith.constant 4864 : index
    %get3A_458 = vector.load %arg2[%get3A_456, %get3A_457] : memref<64x10240xf32, #tpu.memory_space<vmem>>, vector<64x128xf32>
    %transpose3A_459 = tpu.transpose %get3A_458, [1, 0] : vector<64x128xf32> -> vector<128x64xf32>
    %concatenate3A_460 = tpu.concatenate %transpose3A_455, %transpose3A_459 in 1 : vector<128x64xf32>, vector<128x64xf32> -> vector<128x128xf32>
    %swap3A_461 = arith.constant 4864 : index
    %swap3A_462 = arith.constant 0 : index
    %swap3A_463 = vector.load %arg3[%swap3A_461, %swap3A_462] : memref<10240x128xf32, #tpu.memory_space<vmem>>, vector<128x128xf32>
    tpu.vector_store %arg3[%swap3A_461, %swap3A_462], %concatenate3A_460 {strides = array<i32>} : memref<10240x128xf32, #tpu.memory_space<vmem>>, vector<128x128xf32>,
    %get3A_464 = arith.constant 0 : index
    %get3A_465 = arith.constant 4992 : index
    %get3A_466 = vector.load %arg1[%get3A_464, %get3A_465] : memref<64x10240xf32, #tpu.memory_space<vmem>>, vector<64x128xf32>
    %transpose3A_467 = tpu.transpose %get3A_466, [1, 0] : vector<64x128xf32> -> vector<128x64xf32>
    %get3A_468 = arith.constant 0 : index
    %get3A_469 = arith.constant 4992 : index
    %get3A_470 = vector.load %arg2[%get3A_468, %get3A_469] : memref<64x10240xf32, #tpu.memory_space<vmem>>, vector<64x128xf32>
    %transpose3A_471 = tpu.transpose %get3A_470, [1, 0] : vector<64x128xf32> -> vector<128x64xf32>
    %concatenate3A_472 = tpu.concatenate %transpose3A_467, %transpose3A_471 in 1 : vector<128x64xf32>, vector<128x64xf32> -> vector<128x128xf32>
    %swap3A_473 = arith.constant 4992 : index
    %swap3A_474 = arith.constant 0 : index
    %swap3A_475 = vector.load %arg3[%swap3A_473, %swap3A_474] : memref<10240x128xf32, #tpu.memory_space<vmem>>, vector<128x128xf32>
    tpu.vector_store %arg3[%swap3A_473, %swap3A_474], %concatenate3A_472 {strides = array<i32>} : memref<10240x128xf32, #tpu.memory_space<vmem>>, vector<128x128xf32>,
    %get3A_476 = arith.constant 0 : index
    %get3A_477 = arith.constant 5120 : index
    %get3A_478 = vector.load %arg1[%get3A_476, %get3A_477] : memref<64x10240xf32, #tpu.memory_space<vmem>>, vector<64x128xf32>
    %transpose3A_479 = tpu.transpose %get3A_478, [1, 0] : vector<64x128xf32> -> vector<128x64xf32>
    %get3A_480 = arith.constant 0 : index
    %get3A_481 = arith.constant 5120 : index
    %get3A_482 = vector.load %arg2[%get3A_480, %get3A_481] : memref<64x10240xf32, #tpu.memory_space<vmem>>, vector<64x128xf32>
    %transpose3A_483 = tpu.transpose %get3A_482, [1, 0] : vector<64x128xf32> -> vector<128x64xf32>
    %concatenate3A_484 = tpu.concatenate %transpose3A_479, %transpose3A_483 in 1 : vector<128x64xf32>, vector<128x64xf32> -> vector<128x128xf32>
    %swap3A_485 = arith.constant 5120 : index
    %swap3A_486 = arith.constant 0 : index
    %swap3A_487 = vector.load %arg3[%swap3A_485, %swap3A_486] : memref<10240x128xf32, #tpu.memory_space<vmem>>, vector<128x128xf32>
    tpu.vector_store %arg3[%swap3A_485, %swap3A_486], %concatenate3A_484 {strides = array<i32>} : memref<10240x128xf32, #tpu.memory_space<vmem>>, vector<128x128xf32>,
    %get3A_488 = arith.constant 0 : index
    %get3A_489 = arith.constant 5248 : index
    %get3A_490 = vector.load %arg1[%get3A_488, %get3A_489] : memref<64x10240xf32, #tpu.memory_space<vmem>>, vector<64x128xf32>
    %transpose3A_491 = tpu.transpose %get3A_490, [1, 0] : vector<64x128xf32> -> vector<128x64xf32>
    %get3A_492 = arith.constant 0 : index
    %get3A_493 = arith.constant 5248 : index
    %get3A_494 = vector.load %arg2[%get3A_492, %get3A_493] : memref<64x10240xf32, #tpu.memory_space<vmem>>, vector<64x128xf32>
    %transpose3A_495 = tpu.transpose %get3A_494, [1, 0] : vector<64x128xf32> -> vector<128x64xf32>
    %concatenate3A_496 = tpu.concatenate %transpose3A_491, %transpose3A_495 in 1 : vector<128x64xf32>, vector<128x64xf32> -> vector<128x128xf32>
    %swap3A_497 = arith.constant 5248 : index
    %swap3A_498 = arith.constant 0 : index
    %swap3A_499 = vector.load %arg3[%swap3A_497, %swap3A_498] : memref<10240x128xf32, #tpu.memory_space<vmem>>, vector<128x128xf32>
    tpu.vector_store %arg3[%swap3A_497, %swap3A_498], %concatenate3A_496 {strides = array<i32>} : memref<10240x128xf32, #tpu.memory_space<vmem>>, vector<128x128xf32>,
    %get3A_500 = arith.constant 0 : index
    %get3A_501 = arith.constant 5376 : index
    %get3A_502 = vector.load %arg1[%get3A_500, %get3A_501] : memref<64x10240xf32, #tpu.memory_space<vmem>>, vector<64x128xf32>
    %transpose3A_503 = tpu.transpose %get3A_502, [1, 0] : vector<64x128xf32> -> vector<128x64xf32>
    %get3A_504 = arith.constant 0 : index
    %get3A_505 = arith.constant 5376 : index
    %get3A_506 = vector.load %arg2[%get3A_504, %get3A_505] : memref<64x10240xf32, #tpu.memory_space<vmem>>, vector<64x128xf32>
    %transpose3A_507 = tpu.transpose %get3A_506, [1, 0] : vector<64x128xf32> -> vector<128x64xf32>
    %concatenate3A_508 = tpu.concatenate %transpose3A_503, %transpose3A_507 in 1 : vector<128x64xf32>, vector<128x64xf32> -> vector<128x128xf32>
    %swap3A_509 = arith.constant 5376 : index
    %swap3A_510 = arith.constant 0 : index
    %swap3A_511 = vector.load %arg3[%swap3A_509, %swap3A_510] : memref<10240x128xf32, #tpu.memory_space<vmem>>, vector<128x128xf32>
    tpu.vector_store %arg3[%swap3A_509, %swap3A_510], %concatenate3A_508 {strides = array<i32>} : memref<10240x128xf32, #tpu.memory_space<vmem>>, vector<128x128xf32>,
    %get3A_512 = arith.constant 0 : index
    %get3A_513 = arith.constant 5504 : index
    %get3A_514 = vector.load %arg1[%get3A_512, %get3A_513] : memref<64x10240xf32, #tpu.memory_space<vmem>>, vector<64x128xf32>
    %transpose3A_515 = tpu.transpose %get3A_514, [1, 0] : vector<64x128xf32> -> vector<128x64xf32>
    %get3A_516 = arith.constant 0 : index
    %get3A_517 = arith.constant 5504 : index
    %get3A_518 = vector.load %arg2[%get3A_516, %get3A_517] : memref<64x10240xf32, #tpu.memory_space<vmem>>, vector<64x128xf32>
    %transpose3A_519 = tpu.transpose %get3A_518, [1, 0] : vector<64x128xf32> -> vector<128x64xf32>
    %concatenate3A_520 = tpu.concatenate %transpose3A_515, %transpose3A_519 in 1 : vector<128x64xf32>, vector<128x64xf32> -> vector<128x128xf32>
    %swap3A_521 = arith.constant 5504 : index
    %swap3A_522 = arith.constant 0 : index
    %swap3A_523 = vector.load %arg3[%swap3A_521, %swap3A_522] : memref<10240x128xf32, #tpu.memory_space<vmem>>, vector<128x128xf32>
    tpu.vector_store %arg3[%swap3A_521, %swap3A_522], %concatenate3A_520 {strides = array<i32>} : memref<10240x128xf32, #tpu.memory_space<vmem>>, vector<128x128xf32>,
    %get3A_524 = arith.constant 0 : index
    %get3A_525 = arith.constant 5632 : index
    %get3A_526 = vector.load %arg1[%get3A_524, %get3A_525] : memref<64x10240xf32, #tpu.memory_space<vmem>>, vector<64x128xf32>
    %transpose3A_527 = tpu.transpose %get3A_526, [1, 0] : vector<64x128xf32> -> vector<128x64xf32>
    %get3A_528 = arith.constant 0 : index
    %get3A_529 = arith.constant 5632 : index
    %get3A_530 = vector.load %arg2[%get3A_528, %get3A_529] : memref<64x10240xf32, #tpu.memory_space<vmem>>, vector<64x128xf32>
    %transpose3A_531 = tpu.transpose %get3A_530, [1, 0] : vector<64x128xf32> -> vector<128x64xf32>
    %concatenate3A_532 = tpu.concatenate %transpose3A_527, %transpose3A_531 in 1 : vector<128x64xf32>, vector<128x64xf32> -> vector<128x128xf32>
    %swap3A_533 = arith.constant 5632 : index
    %swap3A_534 = arith.constant 0 : index
    %swap3A_535 = vector.load %arg3[%swap3A_533, %swap3A_534] : memref<10240x128xf32, #tpu.memory_space<vmem>>, vector<128x128xf32>
    tpu.vector_store %arg3[%swap3A_533, %swap3A_534], %concatenate3A_532 {strides = array<i32>} : memref<10240x128xf32, #tpu.memory_space<vmem>>, vector<128x128xf32>,
    %get3A_536 = arith.constant 0 : index
    %get3A_537 = arith.constant 5760 : index
    %get3A_538 = vector.load %arg1[%get3A_536, %get3A_537] : memref<64x10240xf32, #tpu.memory_space<vmem>>, vector<64x128xf32>
    %transpose3A_539 = tpu.transpose %get3A_538, [1, 0] : vector<64x128xf32> -> vector<128x64xf32>
    %get3A_540 = arith.constant 0 : index
    %get3A_541 = arith.constant 5760 : index
    %get3A_542 = vector.load %arg2[%get3A_540, %get3A_541] : memref<64x10240xf32, #tpu.memory_space<vmem>>, vector<64x128xf32>
    %transpose3A_543 = tpu.transpose %get3A_542, [1, 0] : vector<64x128xf32> -> vector<128x64xf32>
    %concatenate3A_544 = tpu.concatenate %transpose3A_539, %transpose3A_543 in 1 : vector<128x64xf32>, vector<128x64xf32> -> vector<128x128xf32>
    %swap3A_545 = arith.constant 5760 : index
    %swap3A_546 = arith.constant 0 : index
    %swap3A_547 = vector.load %arg3[%swap3A_545, %swap3A_546] : memref<10240x128xf32, #tpu.memory_space<vmem>>, vector<128x128xf32>
    tpu.vector_store %arg3[%swap3A_545, %swap3A_546], %concatenate3A_544 {strides = array<i32>} : memref<10240x128xf32, #tpu.memory_space<vmem>>, vector<128x128xf32>,
    %get3A_548 = arith.constant 0 : index
    %get3A_549 = arith.constant 5888 : index
    %get3A_550 = vector.load %arg1[%get3A_548, %get3A_549] : memref<64x10240xf32, #tpu.memory_space<vmem>>, vector<64x128xf32>
    %transpose3A_551 = tpu.transpose %get3A_550, [1, 0] : vector<64x128xf32> -> vector<128x64xf32>
    %get3A_552 = arith.constant 0 : index
    %get3A_553 = arith.constant 5888 : index
    %get3A_554 = vector.load %arg2[%get3A_552, %get3A_553] : memref<64x10240xf32, #tpu.memory_space<vmem>>, vector<64x128xf32>
    %transpose3A_555 = tpu.transpose %get3A_554, [1, 0] : vector<64x128xf32> -> vector<128x64xf32>
    %concatenate3A_556 = tpu.concatenate %transpose3A_551, %transpose3A_555 in 1 : vector<128x64xf32>, vector<128x64xf32> -> vector<128x128xf32>
    %swap3A_557 = arith.constant 5888 : index
    %swap3A_558 = arith.constant 0 : index
    %swap3A_559 = vector.load %arg3[%swap3A_557, %swap3A_558] : memref<10240x128xf32, #tpu.memory_space<vmem>>, vector<128x128xf32>
    tpu.vector_store %arg3[%swap3A_557, %swap3A_558], %concatenate3A_556 {strides = array<i32>} : memref<10240x128xf32, #tpu.memory_space<vmem>>, vector<128x128xf32>,
    %get3A_560 = arith.constant 0 : index
    %get3A_561 = arith.constant 6016 : index
    %get3A_562 = vector.load %arg1[%get3A_560, %get3A_561] : memref<64x10240xf32, #tpu.memory_space<vmem>>, vector<64x128xf32>
    %transpose3A_563 = tpu.transpose %get3A_562, [1, 0] : vector<64x128xf32> -> vector<128x64xf32>
    %get3A_564 = arith.constant 0 : index
    %get3A_565 = arith.constant 6016 : index
    %get3A_566 = vector.load %arg2[%get3A_564, %get3A_565] : memref<64x10240xf32, #tpu.memory_space<vmem>>, vector<64x128xf32>
    %transpose3A_567 = tpu.transpose %get3A_566, [1, 0] : vector<64x128xf32> -> vector<128x64xf32>
    %concatenate3A_568 = tpu.concatenate %transpose3A_563, %transpose3A_567 in 1 : vector<128x64xf32>, vector<128x64xf32> -> vector<128x128xf32>
    %swap3A_569 = arith.constant 6016 : index
    %swap3A_570 = arith.constant 0 : index
    %swap3A_571 = vector.load %arg3[%swap3A_569, %swap3A_570] : memref<10240x128xf32, #tpu.memory_space<vmem>>, vector<128x128xf32>
    tpu.vector_store %arg3[%swap3A_569, %swap3A_570], %concatenate3A_568 {strides = array<i32>} : memref<10240x128xf32, #tpu.memory_space<vmem>>, vector<128x128xf32>,
    %get3A_572 = arith.constant 0 : index
    %get3A_573 = arith.constant 6144 : index
    %get3A_574 = vector.load %arg1[%get3A_572, %get3A_573] : memref<64x10240xf32, #tpu.memory_space<vmem>>, vector<64x128xf32>
    %transpose3A_575 = tpu.transpose %get3A_574, [1, 0] : vector<64x128xf32> -> vector<128x64xf32>
    %get3A_576 = arith.constant 0 : index
    %get3A_577 = arith.constant 6144 : index
    %get3A_578 = vector.load %arg2[%get3A_576, %get3A_577] : memref<64x10240xf32, #tpu.memory_space<vmem>>, vector<64x128xf32>
    %transpose3A_579 = tpu.transpose %get3A_578, [1, 0] : vector<64x128xf32> -> vector<128x64xf32>
    %concatenate3A_580 = tpu.concatenate %transpose3A_575, %transpose3A_579 in 1 : vector<128x64xf32>, vector<128x64xf32> -> vector<128x128xf32>
    %swap3A_581 = arith.constant 6144 : index
    %swap3A_582 = arith.constant 0 : index
    %swap3A_583 = vector.load %arg3[%swap3A_581, %swap3A_582] : memref<10240x128xf32, #tpu.memory_space<vmem>>, vector<128x128xf32>
    tpu.vector_store %arg3[%swap3A_581, %swap3A_582], %concatenate3A_580 {strides = array<i32>} : memref<10240x128xf32, #tpu.memory_space<vmem>>, vector<128x128xf32>,
    %get3A_584 = arith.constant 0 : index
    %get3A_585 = arith.constant 6272 : index
    %get3A_586 = vector.load %arg1[%get3A_584, %get3A_585] : memref<64x10240xf32, #tpu.memory_space<vmem>>, vector<64x128xf32>
    %transpose3A_587 = tpu.transpose %get3A_586, [1, 0] : vector<64x128xf32> -> vector<128x64xf32>
    %get3A_588 = arith.constant 0 : index
    %get3A_589 = arith.constant 6272 : index
    %get3A_590 = vector.load %arg2[%get3A_588, %get3A_589] : memref<64x10240xf32, #tpu.memory_space<vmem>>, vector<64x128xf32>
    %transpose3A_591 = tpu.transpose %get3A_590, [1, 0] : vector<64x128xf32> -> vector<128x64xf32>
    %concatenate3A_592 = tpu.concatenate %transpose3A_587, %transpose3A_591 in 1 : vector<128x64xf32>, vector<128x64xf32> -> vector<128x128xf32>
    %swap3A_593 = arith.constant 6272 : index
    %swap3A_594 = arith.constant 0 : index
    %swap3A_595 = vector.load %arg3[%swap3A_593, %swap3A_594] : memref<10240x128xf32, #tpu.memory_space<vmem>>, vector<128x128xf32>
    tpu.vector_store %arg3[%swap3A_593, %swap3A_594], %concatenate3A_592 {strides = array<i32>} : memref<10240x128xf32, #tpu.memory_space<vmem>>, vector<128x128xf32>,
    %get3A_596 = arith.constant 0 : index
    %get3A_597 = arith.constant 6400 : index
    %get3A_598 = vector.load %arg1[%get3A_596, %get3A_597] : memref<64x10240xf32, #tpu.memory_space<vmem>>, vector<64x128xf32>
    %transpose3A_599 = tpu.transpose %get3A_598, [1, 0] : vector<64x128xf32> -> vector<128x64xf32>
    %get3A_600 = arith.constant 0 : index
    %get3A_601 = arith.constant 6400 : index
    %get3A_602 = vector.load %arg2[%get3A_600, %get3A_601] : memref<64x10240xf32, #tpu.memory_space<vmem>>, vector<64x128xf32>
    %transpose3A_603 = tpu.transpose %get3A_602, [1, 0] : vector<64x128xf32> -> vector<128x64xf32>
    %concatenate3A_604 = tpu.concatenate %transpose3A_599, %transpose3A_603 in 1 : vector<128x64xf32>, vector<128x64xf32> -> vector<128x128xf32>
    %swap3A_605 = arith.constant 6400 : index
    %swap3A_606 = arith.constant 0 : index
    %swap3A_607 = vector.load %arg3[%swap3A_605, %swap3A_606] : memref<10240x128xf32, #tpu.memory_space<vmem>>, vector<128x128xf32>
    tpu.vector_store %arg3[%swap3A_605, %swap3A_606], %concatenate3A_604 {strides = array<i32>} : memref<10240x128xf32, #tpu.memory_space<vmem>>, vector<128x128xf32>,
    %get3A_608 = arith.constant 0 : index
    %get3A_609 = arith.constant 6528 : index
    %get3A_610 = vector.load %arg1[%get3A_608, %get3A_609] : memref<64x10240xf32, #tpu.memory_space<vmem>>, vector<64x128xf32>
    %transpose3A_611 = tpu.transpose %get3A_610, [1, 0] : vector<64x128xf32> -> vector<128x64xf32>
    %get3A_612 = arith.constant 0 : index
    %get3A_613 = arith.constant 6528 : index
    %get3A_614 = vector.load %arg2[%get3A_612, %get3A_613] : memref<64x10240xf32, #tpu.memory_space<vmem>>, vector<64x128xf32>
    %transpose3A_615 = tpu.transpose %get3A_614, [1, 0] : vector<64x128xf32> -> vector<128x64xf32>
    %concatenate3A_616 = tpu.concatenate %transpose3A_611, %transpose3A_615 in 1 : vector<128x64xf32>, vector<128x64xf32> -> vector<128x128xf32>
    %swap3A_617 = arith.constant 6528 : index
    %swap3A_618 = arith.constant 0 : index
    %swap3A_619 = vector.load %arg3[%swap3A_617, %swap3A_618] : memref<10240x128xf32, #tpu.memory_space<vmem>>, vector<128x128xf32>
    tpu.vector_store %arg3[%swap3A_617, %swap3A_618], %concatenate3A_616 {strides = array<i32>} : memref<10240x128xf32, #tpu.memory_space<vmem>>, vector<128x128xf32>,
    %get3A_620 = arith.constant 0 : index
    %get3A_621 = arith.constant 6656 : index
    %get3A_622 = vector.load %arg1[%get3A_620, %get3A_621] : memref<64x10240xf32, #tpu.memory_space<vmem>>, vector<64x128xf32>
    %transpose3A_623 = tpu.transpose %get3A_622, [1, 0] : vector<64x128xf32> -> vector<128x64xf32>
    %get3A_624 = arith.constant 0 : index
    %get3A_625 = arith.constant 6656 : index
    %get3A_626 = vector.load %arg2[%get3A_624, %get3A_625] : memref<64x10240xf32, #tpu.memory_space<vmem>>, vector<64x128xf32>
    %transpose3A_627 = tpu.transpose %get3A_626, [1, 0] : vector<64x128xf32> -> vector<128x64xf32>
    %concatenate3A_628 = tpu.concatenate %transpose3A_623, %transpose3A_627 in 1 : vector<128x64xf32>, vector<128x64xf32> -> vector<128x128xf32>
    %swap3A_629 = arith.constant 6656 : index
    %swap3A_630 = arith.constant 0 : index
    %swap3A_631 = vector.load %arg3[%swap3A_629, %swap3A_630] : memref<10240x128xf32, #tpu.memory_space<vmem>>, vector<128x128xf32>
    tpu.vector_store %arg3[%swap3A_629, %swap3A_630], %concatenate3A_628 {strides = array<i32>} : memref<10240x128xf32, #tpu.memory_space<vmem>>, vector<128x128xf32>,
    %get3A_632 = arith.constant 0 : index
    %get3A_633 = arith.constant 6784 : index
    %get3A_634 = vector.load %arg1[%get3A_632, %get3A_633] : memref<64x10240xf32, #tpu.memory_space<vmem>>, vector<64x128xf32>
    %transpose3A_635 = tpu.transpose %get3A_634, [1, 0] : vector<64x128xf32> -> vector<128x64xf32>
    %get3A_636 = arith.constant 0 : index
    %get3A_637 = arith.constant 6784 : index
    %get3A_638 = vector.load %arg2[%get3A_636, %get3A_637] : memref<64x10240xf32, #tpu.memory_space<vmem>>, vector<64x128xf32>
    %transpose3A_639 = tpu.transpose %get3A_638, [1, 0] : vector<64x128xf32> -> vector<128x64xf32>
    %concatenate3A_640 = tpu.concatenate %transpose3A_635, %transpose3A_639 in 1 : vector<128x64xf32>, vector<128x64xf32> -> vector<128x128xf32>
    %swap3A_641 = arith.constant 6784 : index
    %swap3A_642 = arith.constant 0 : index
    %swap3A_643 = vector.load %arg3[%swap3A_641, %swap3A_642] : memref<10240x128xf32, #tpu.memory_space<vmem>>, vector<128x128xf32>
    tpu.vector_store %arg3[%swap3A_641, %swap3A_642], %concatenate3A_640 {strides = array<i32>} : memref<10240x128xf32, #tpu.memory_space<vmem>>, vector<128x128xf32>,
    %get3A_644 = arith.constant 0 : index
    %get3A_645 = arith.constant 6912 : index
    %get3A_646 = vector.load %arg1[%get3A_644, %get3A_645] : memref<64x10240xf32, #tpu.memory_space<vmem>>, vector<64x128xf32>
    %transpose3A_647 = tpu.transpose %get3A_646, [1, 0] : vector<64x128xf32> -> vector<128x64xf32>
    %get3A_648 = arith.constant 0 : index
    %get3A_649 = arith.constant 6912 : index
    %get3A_650 = vector.load %arg2[%get3A_648, %get3A_649] : memref<64x10240xf32, #tpu.memory_space<vmem>>, vector<64x128xf32>
    %transpose3A_651 = tpu.transpose %get3A_650, [1, 0] : vector<64x128xf32> -> vector<128x64xf32>
    %concatenate3A_652 = tpu.concatenate %transpose3A_647, %transpose3A_651 in 1 : vector<128x64xf32>, vector<128x64xf32> -> vector<128x128xf32>
    %swap3A_653 = arith.constant 6912 : index
    %swap3A_654 = arith.constant 0 : index
    %swap3A_655 = vector.load %arg3[%swap3A_653, %swap3A_654] : memref<10240x128xf32, #tpu.memory_space<vmem>>, vector<128x128xf32>
    tpu.vector_store %arg3[%swap3A_653, %swap3A_654], %concatenate3A_652 {strides = array<i32>} : memref<10240x128xf32, #tpu.memory_space<vmem>>, vector<128x128xf32>,
    %get3A_656 = arith.constant 0 : index
    %get3A_657 = arith.constant 7040 : index
    %get3A_658 = vector.load %arg1[%get3A_656, %get3A_657] : memref<64x10240xf32, #tpu.memory_space<vmem>>, vector<64x128xf32>
    %transpose3A_659 = tpu.transpose %get3A_658, [1, 0] : vector<64x128xf32> -> vector<128x64xf32>
    %get3A_660 = arith.constant 0 : index
    %get3A_661 = arith.constant 7040 : index
    %get3A_662 = vector.load %arg2[%get3A_660, %get3A_661] : memref<64x10240xf32, #tpu.memory_space<vmem>>, vector<64x128xf32>
    %transpose3A_663 = tpu.transpose %get3A_662, [1, 0] : vector<64x128xf32> -> vector<128x64xf32>
    %concatenate3A_664 = tpu.concatenate %transpose3A_659, %transpose3A_663 in 1 : vector<128x64xf32>, vector<128x64xf32> -> vector<128x128xf32>
    %swap3A_665 = arith.constant 7040 : index
    %swap3A_666 = arith.constant 0 : index
    %swap3A_667 = vector.load %arg3[%swap3A_665, %swap3A_666] : memref<10240x128xf32, #tpu.memory_space<vmem>>, vector<128x128xf32>
    tpu.vector_store %arg3[%swap3A_665, %swap3A_666], %concatenate3A_664 {strides = array<i32>} : memref<10240x128xf32, #tpu.memory_space<vmem>>, vector<128x128xf32>,
    %get3A_668 = arith.constant 0 : index
    %get3A_669 = arith.constant 7168 : index
    %get3A_670 = vector.load %arg1[%get3A_668, %get3A_669] : memref<64x10240xf32, #tpu.memory_space<vmem>>, vector<64x128xf32>
    %transpose3A_671 = tpu.transpose %get3A_670, [1, 0] : vector<64x128xf32> -> vector<128x64xf32>
    %get3A_672 = arith.constant 0 : index
    %get3A_673 = arith.constant 7168 : index
    %get3A_674 = vector.load %arg2[%get3A_672, %get3A_673] : memref<64x10240xf32, #tpu.memory_space<vmem>>, vector<64x128xf32>
    %transpose3A_675 = tpu.transpose %get3A_674, [1, 0] : vector<64x128xf32> -> vector<128x64xf32>
    %concatenate3A_676 = tpu.concatenate %transpose3A_671, %transpose3A_675 in 1 : vector<128x64xf32>, vector<128x64xf32> -> vector<128x128xf32>
    %swap3A_677 = arith.constant 7168 : index
    %swap3A_678 = arith.constant 0 : index
    %swap3A_679 = vector.load %arg3[%swap3A_677, %swap3A_678] : memref<10240x128xf32, #tpu.memory_space<vmem>>, vector<128x128xf32>
    tpu.vector_store %arg3[%swap3A_677, %swap3A_678], %concatenate3A_676 {strides = array<i32>} : memref<10240x128xf32, #tpu.memory_space<vmem>>, vector<128x128xf32>,
    %get3A_680 = arith.constant 0 : index
    %get3A_681 = arith.constant 7296 : index
    %get3A_682 = vector.load %arg1[%get3A_680, %get3A_681] : memref<64x10240xf32, #tpu.memory_space<vmem>>, vector<64x128xf32>
    %transpose3A_683 = tpu.transpose %get3A_682, [1, 0] : vector<64x128xf32> -> vector<128x64xf32>
    %get3A_684 = arith.constant 0 : index
    %get3A_685 = arith.constant 7296 : index
    %get3A_686 = vector.load %arg2[%get3A_684, %get3A_685] : memref<64x10240xf32, #tpu.memory_space<vmem>>, vector<64x128xf32>
    %transpose3A_687 = tpu.transpose %get3A_686, [1, 0] : vector<64x128xf32> -> vector<128x64xf32>
    %concatenate3A_688 = tpu.concatenate %transpose3A_683, %transpose3A_687 in 1 : vector<128x64xf32>, vector<128x64xf32> -> vector<128x128xf32>
    %swap3A_689 = arith.constant 7296 : index
    %swap3A_690 = arith.constant 0 : index
    %swap3A_691 = vector.load %arg3[%swap3A_689, %swap3A_690] : memref<10240x128xf32, #tpu.memory_space<vmem>>, vector<128x128xf32>
    tpu.vector_store %arg3[%swap3A_689, %swap3A_690], %concatenate3A_688 {strides = array<i32>} : memref<10240x128xf32, #tpu.memory_space<vmem>>, vector<128x128xf32>,
    %get3A_692 = arith.constant 0 : index
    %get3A_693 = arith.constant 7424 : index
    %get3A_694 = vector.load %arg1[%get3A_692, %get3A_693] : memref<64x10240xf32, #tpu.memory_space<vmem>>, vector<64x128xf32>
    %transpose3A_695 = tpu.transpose %get3A_694, [1, 0] : vector<64x128xf32> -> vector<128x64xf32>
    %get3A_696 = arith.constant 0 : index
    %get3A_697 = arith.constant 7424 : index
    %get3A_698 = vector.load %arg2[%get3A_696, %get3A_697] : memref<64x10240xf32, #tpu.memory_space<vmem>>, vector<64x128xf32>
    %transpose3A_699 = tpu.transpose %get3A_698, [1, 0] : vector<64x128xf32> -> vector<128x64xf32>
    %concatenate3A_700 = tpu.concatenate %transpose3A_695, %transpose3A_699 in 1 : vector<128x64xf32>, vector<128x64xf32> -> vector<128x128xf32>
    %swap3A_701 = arith.constant 7424 : index
    %swap3A_702 = arith.constant 0 : index
    %swap3A_703 = vector.load %arg3[%swap3A_701, %swap3A_702] : memref<10240x128xf32, #tpu.memory_space<vmem>>, vector<128x128xf32>
    tpu.vector_store %arg3[%swap3A_701, %swap3A_702], %concatenate3A_700 {strides = array<i32>} : memref<10240x128xf32, #tpu.memory_space<vmem>>, vector<128x128xf32>,
    %get3A_704 = arith.constant 0 : index
    %get3A_705 = arith.constant 7552 : index
    %get3A_706 = vector.load %arg1[%get3A_704, %get3A_705] : memref<64x10240xf32, #tpu.memory_space<vmem>>, vector<64x128xf32>
    %transpose3A_707 = tpu.transpose %get3A_706, [1, 0] : vector<64x128xf32> -> vector<128x64xf32>
    %get3A_708 = arith.constant 0 : index
    %get3A_709 = arith.constant 7552 : index
    %get3A_710 = vector.load %arg2[%get3A_708, %get3A_709] : memref<64x10240xf32, #tpu.memory_space<vmem>>, vector<64x128xf32>
    %transpose3A_711 = tpu.transpose %get3A_710, [1, 0] : vector<64x128xf32> -> vector<128x64xf32>
    %concatenate3A_712 = tpu.concatenate %transpose3A_707, %transpose3A_711 in 1 : vector<128x64xf32>, vector<128x64xf32> -> vector<128x128xf32>
    %swap3A_713 = arith.constant 7552 : index
    %swap3A_714 = arith.constant 0 : index
    %swap3A_715 = vector.load %arg3[%swap3A_713, %swap3A_714] : memref<10240x128xf32, #tpu.memory_space<vmem>>, vector<128x128xf32>
    tpu.vector_store %arg3[%swap3A_713, %swap3A_714], %concatenate3A_712 {strides = array<i32>} : memref<10240x128xf32, #tpu.memory_space<vmem>>, vector<128x128xf32>,
    %get3A_716 = arith.constant 0 : index
    %get3A_717 = arith.constant 7680 : index
    %get3A_718 = vector.load %arg1[%get3A_716, %get3A_717] : memref<64x10240xf32, #tpu.memory_space<vmem>>, vector<64x128xf32>
    %transpose3A_719 = tpu.transpose %get3A_718, [1, 0] : vector<64x128xf32> -> vector<128x64xf32>
    %get3A_720 = arith.constant 0 : index
    %get3A_721 = arith.constant 7680 : index
    %get3A_722 = vector.load %arg2[%get3A_720, %get3A_721] : memref<64x10240xf32, #tpu.memory_space<vmem>>, vector<64x128xf32>
    %transpose3A_723 = tpu.transpose %get3A_722, [1, 0] : vector<64x128xf32> -> vector<128x64xf32>
    %concatenate3A_724 = tpu.concatenate %transpose3A_719, %transpose3A_723 in 1 : vector<128x64xf32>, vector<128x64xf32> -> vector<128x128xf32>
    %swap3A_725 = arith.constant 7680 : index
    %swap3A_726 = arith.constant 0 : index
    %swap3A_727 = vector.load %arg3[%swap3A_725, %swap3A_726] : memref<10240x128xf32, #tpu.memory_space<vmem>>, vector<128x128xf32>
    tpu.vector_store %arg3[%swap3A_725, %swap3A_726], %concatenate3A_724 {strides = array<i32>} : memref<10240x128xf32, #tpu.memory_space<vmem>>, vector<128x128xf32>,
    %get3A_728 = arith.constant 0 : index
    %get3A_729 = arith.constant 7808 : index
    %get3A_730 = vector.load %arg1[%get3A_728, %get3A_729] : memref<64x10240xf32, #tpu.memory_space<vmem>>, vector<64x128xf32>
    %transpose3A_731 = tpu.transpose %get3A_730, [1, 0] : vector<64x128xf32> -> vector<128x64xf32>
    %get3A_732 = arith.constant 0 : index
    %get3A_733 = arith.constant 7808 : index
    %get3A_734 = vector.load %arg2[%get3A_732, %get3A_733] : memref<64x10240xf32, #tpu.memory_space<vmem>>, vector<64x128xf32>
    %transpose3A_735 = tpu.transpose %get3A_734, [1, 0] : vector<64x128xf32> -> vector<128x64xf32>
    %concatenate3A_736 = tpu.concatenate %transpose3A_731, %transpose3A_735 in 1 : vector<128x64xf32>, vector<128x64xf32> -> vector<128x128xf32>
    %swap3A_737 = arith.constant 7808 : index
    %swap3A_738 = arith.constant 0 : index
    %swap3A_739 = vector.load %arg3[%swap3A_737, %swap3A_738] : memref<10240x128xf32, #tpu.memory_space<vmem>>, vector<128x128xf32>
    tpu.vector_store %arg3[%swap3A_737, %swap3A_738], %concatenate3A_736 {strides = array<i32>} : memref<10240x128xf32, #tpu.memory_space<vmem>>, vector<128x128xf32>,
    %get3A_740 = arith.constant 0 : index
    %get3A_741 = arith.constant 7936 : index
    %get3A_742 = vector.load %arg1[%get3A_740, %get3A_741] : memref<64x10240xf32, #tpu.memory_space<vmem>>, vector<64x128xf32>
    %transpose3A_743 = tpu.transpose %get3A_742, [1, 0] : vector<64x128xf32> -> vector<128x64xf32>
    %get3A_744 = arith.constant 0 : index
    %get3A_745 = arith.constant 7936 : index
    %get3A_746 = vector.load %arg2[%get3A_744, %get3A_745] : memref<64x10240xf32, #tpu.memory_space<vmem>>, vector<64x128xf32>
    %transpose3A_747 = tpu.transpose %get3A_746, [1, 0] : vector<64x128xf32> -> vector<128x64xf32>
    %concatenate3A_748 = tpu.concatenate %transpose3A_743, %transpose3A_747 in 1 : vector<128x64xf32>, vector<128x64xf32> -> vector<128x128xf32>
    %swap3A_749 = arith.constant 7936 : index
    %swap3A_750 = arith.constant 0 : index
    %swap3A_751 = vector.load %arg3[%swap3A_749, %swap3A_750] : memref<10240x128xf32, #tpu.memory_space<vmem>>, vector<128x128xf32>
    tpu.vector_store %arg3[%swap3A_749, %swap3A_750], %concatenate3A_748 {strides = array<i32>} : memref<10240x128xf32, #tpu.memory_space<vmem>>, vector<128x128xf32>,
    %get3A_752 = arith.constant 0 : index
    %get3A_753 = arith.constant 8064 : index
    %get3A_754 = vector.load %arg1[%get3A_752, %get3A_753] : memref<64x10240xf32, #tpu.memory_space<vmem>>, vector<64x128xf32>
    %transpose3A_755 = tpu.transpose %get3A_754, [1, 0] : vector<64x128xf32> -> vector<128x64xf32>
    %get3A_756 = arith.constant 0 : index
    %get3A_757 = arith.constant 8064 : index
    %get3A_758 = vector.load %arg2[%get3A_756, %get3A_757] : memref<64x10240xf32, #tpu.memory_space<vmem>>, vector<64x128xf32>
    %transpose3A_759 = tpu.transpose %get3A_758, [1, 0] : vector<64x128xf32> -> vector<128x64xf32>
    %concatenate3A_760 = tpu.concatenate %transpose3A_755, %transpose3A_759 in 1 : vector<128x64xf32>, vector<128x64xf32> -> vector<128x128xf32>
    %swap3A_761 = arith.constant 8064 : index
    %swap3A_762 = arith.constant 0 : index
    %swap3A_763 = vector.load %arg3[%swap3A_761, %swap3A_762] : memref<10240x128xf32, #tpu.memory_space<vmem>>, vector<128x128xf32>
    tpu.vector_store %arg3[%swap3A_761, %swap3A_762], %concatenate3A_760 {strides = array<i32>} : memref<10240x128xf32, #tpu.memory_space<vmem>>, vector<128x128xf32>,
    %get3A_764 = arith.constant 0 : index
    %get3A_765 = arith.constant 8192 : index
    %get3A_766 = vector.load %arg1[%get3A_764, %get3A_765] : memref<64x10240xf32, #tpu.memory_space<vmem>>, vector<64x128xf32>
    %transpose3A_767 = tpu.transpose %get3A_766, [1, 0] : vector<64x128xf32> -> vector<128x64xf32>
    %get3A_768 = arith.constant 0 : index
    %get3A_769 = arith.constant 8192 : index
    %get3A_770 = vector.load %arg2[%get3A_768, %get3A_769] : memref<64x10240xf32, #tpu.memory_space<vmem>>, vector<64x128xf32>
    %transpose3A_771 = tpu.transpose %get3A_770, [1, 0] : vector<64x128xf32> -> vector<128x64xf32>
    %concatenate3A_772 = tpu.concatenate %transpose3A_767, %transpose3A_771 in 1 : vector<128x64xf32>, vector<128x64xf32> -> vector<128x128xf32>
    %swap3A_773 = arith.constant 8192 : index
    %swap3A_774 = arith.constant 0 : index
    %swap3A_775 = vector.load %arg3[%swap3A_773, %swap3A_774] : memref<10240x128xf32, #tpu.memory_space<vmem>>, vector<128x128xf32>
    tpu.vector_store %arg3[%swap3A_773, %swap3A_774], %concatenate3A_772 {strides = array<i32>} : memref<10240x128xf32, #tpu.memory_space<vmem>>, vector<128x128xf32>,
    %get3A_776 = arith.constant 0 : index
    %get3A_777 = arith.constant 8320 : index
    %get3A_778 = vector.load %arg1[%get3A_776, %get3A_777] : memref<64x10240xf32, #tpu.memory_space<vmem>>, vector<64x128xf32>
    %transpose3A_779 = tpu.transpose %get3A_778, [1, 0] : vector<64x128xf32> -> vector<128x64xf32>
    %get3A_780 = arith.constant 0 : index
    %get3A_781 = arith.constant 8320 : index
    %get3A_782 = vector.load %arg2[%get3A_780, %get3A_781] : memref<64x10240xf32, #tpu.memory_space<vmem>>, vector<64x128xf32>
    %transpose3A_783 = tpu.transpose %get3A_782, [1, 0] : vector<64x128xf32> -> vector<128x64xf32>
    %concatenate3A_784 = tpu.concatenate %transpose3A_779, %transpose3A_783 in 1 : vector<128x64xf32>, vector<128x64xf32> -> vector<128x128xf32>
    %swap3A_785 = arith.constant 8320 : index
    %swap3A_786 = arith.constant 0 : index
    %swap3A_787 = vector.load %arg3[%swap3A_785, %swap3A_786] : memref<10240x128xf32, #tpu.memory_space<vmem>>, vector<128x128xf32>
    tpu.vector_store %arg3[%swap3A_785, %swap3A_786], %concatenate3A_784 {strides = array<i32>} : memref<10240x128xf32, #tpu.memory_space<vmem>>, vector<128x128xf32>,
    %get3A_788 = arith.constant 0 : index
    %get3A_789 = arith.constant 8448 : index
    %get3A_790 = vector.load %arg1[%get3A_788, %get3A_789] : memref<64x10240xf32, #tpu.memory_space<vmem>>, vector<64x128xf32>
    %transpose3A_791 = tpu.transpose %get3A_790, [1, 0] : vector<64x128xf32> -> vector<128x64xf32>
    %get3A_792 = arith.constant 0 : index
    %get3A_793 = arith.constant 8448 : index
    %get3A_794 = vector.load %arg2[%get3A_792, %get3A_793] : memref<64x10240xf32, #tpu.memory_space<vmem>>, vector<64x128xf32>
    %transpose3A_795 = tpu.transpose %get3A_794, [1, 0] : vector<64x128xf32> -> vector<128x64xf32>
    %concatenate3A_796 = tpu.concatenate %transpose3A_791, %transpose3A_795 in 1 : vector<128x64xf32>, vector<128x64xf32> -> vector<128x128xf32>
    %swap3A_797 = arith.constant 8448 : index
    %swap3A_798 = arith.constant 0 : index
    %swap3A_799 = vector.load %arg3[%swap3A_797, %swap3A_798] : memref<10240x128xf32, #tpu.memory_space<vmem>>, vector<128x128xf32>
    tpu.vector_store %arg3[%swap3A_797, %swap3A_798], %concatenate3A_796 {strides = array<i32>} : memref<10240x128xf32, #tpu.memory_space<vmem>>, vector<128x128xf32>,
    %get3A_800 = arith.constant 0 : index
    %get3A_801 = arith.constant 8576 : index
    %get3A_802 = vector.load %arg1[%get3A_800, %get3A_801] : memref<64x10240xf32, #tpu.memory_space<vmem>>, vector<64x128xf32>
    %transpose3A_803 = tpu.transpose %get3A_802, [1, 0] : vector<64x128xf32> -> vector<128x64xf32>
    %get3A_804 = arith.constant 0 : index
    %get3A_805 = arith.constant 8576 : index
    %get3A_806 = vector.load %arg2[%get3A_804, %get3A_805] : memref<64x10240xf32, #tpu.memory_space<vmem>>, vector<64x128xf32>
    %transpose3A_807 = tpu.transpose %get3A_806, [1, 0] : vector<64x128xf32> -> vector<128x64xf32>
    %concatenate3A_808 = tpu.concatenate %transpose3A_803, %transpose3A_807 in 1 : vector<128x64xf32>, vector<128x64xf32> -> vector<128x128xf32>
    %swap3A_809 = arith.constant 8576 : index
    %swap3A_810 = arith.constant 0 : index
    %swap3A_811 = vector.load %arg3[%swap3A_809, %swap3A_810] : memref<10240x128xf32, #tpu.memory_space<vmem>>, vector<128x128xf32>
    tpu.vector_store %arg3[%swap3A_809, %swap3A_810], %concatenate3A_808 {strides = array<i32>} : memref<10240x128xf32, #tpu.memory_space<vmem>>, vector<128x128xf32>,
    %get3A_812 = arith.constant 0 : index
    %get3A_813 = arith.constant 8704 : index
    %get3A_814 = vector.load %arg1[%get3A_812, %get3A_813] : memref<64x10240xf32, #tpu.memory_space<vmem>>, vector<64x128xf32>
    %transpose3A_815 = tpu.transpose %get3A_814, [1, 0] : vector<64x128xf32> -> vector<128x64xf32>
    %get3A_816 = arith.constant 0 : index
    %get3A_817 = arith.constant 8704 : index
    %get3A_818 = vector.load %arg2[%get3A_816, %get3A_817] : memref<64x10240xf32, #tpu.memory_space<vmem>>, vector<64x128xf32>
    %transpose3A_819 = tpu.transpose %get3A_818, [1, 0] : vector<64x128xf32> -> vector<128x64xf32>
    %concatenate3A_820 = tpu.concatenate %transpose3A_815, %transpose3A_819 in 1 : vector<128x64xf32>, vector<128x64xf32> -> vector<128x128xf32>
    %swap3A_821 = arith.constant 8704 : index
    %swap3A_822 = arith.constant 0 : index
    %swap3A_823 = vector.load %arg3[%swap3A_821, %swap3A_822] : memref<10240x128xf32, #tpu.memory_space<vmem>>, vector<128x128xf32>
    tpu.vector_store %arg3[%swap3A_821, %swap3A_822], %concatenate3A_820 {strides = array<i32>} : memref<10240x128xf32, #tpu.memory_space<vmem>>, vector<128x128xf32>,
    %get3A_824 = arith.constant 0 : index
    %get3A_825 = arith.constant 8832 : index
    %get3A_826 = vector.load %arg1[%get3A_824, %get3A_825] : memref<64x10240xf32, #tpu.memory_space<vmem>>, vector<64x128xf32>
    %transpose3A_827 = tpu.transpose %get3A_826, [1, 0] : vector<64x128xf32> -> vector<128x64xf32>
    %get3A_828 = arith.constant 0 : index
    %get3A_829 = arith.constant 8832 : index
    %get3A_830 = vector.load %arg2[%get3A_828, %get3A_829] : memref<64x10240xf32, #tpu.memory_space<vmem>>, vector<64x128xf32>
    %transpose3A_831 = tpu.transpose %get3A_830, [1, 0] : vector<64x128xf32> -> vector<128x64xf32>
    %concatenate3A_832 = tpu.concatenate %transpose3A_827, %transpose3A_831 in 1 : vector<128x64xf32>, vector<128x64xf32> -> vector<128x128xf32>
    %swap3A_833 = arith.constant 8832 : index
    %swap3A_834 = arith.constant 0 : index
    %swap3A_835 = vector.load %arg3[%swap3A_833, %swap3A_834] : memref<10240x128xf32, #tpu.memory_space<vmem>>, vector<128x128xf32>
    tpu.vector_store %arg3[%swap3A_833, %swap3A_834], %concatenate3A_832 {strides = array<i32>} : memref<10240x128xf32, #tpu.memory_space<vmem>>, vector<128x128xf32>,
    %get3A_836 = arith.constant 0 : index
    %get3A_837 = arith.constant 8960 : index
    %get3A_838 = vector.load %arg1[%get3A_836, %get3A_837] : memref<64x10240xf32, #tpu.memory_space<vmem>>, vector<64x128xf32>
    %transpose3A_839 = tpu.transpose %get3A_838, [1, 0] : vector<64x128xf32> -> vector<128x64xf32>
    %get3A_840 = arith.constant 0 : index
    %get3A_841 = arith.constant 8960 : index
    %get3A_842 = vector.load %arg2[%get3A_840, %get3A_841] : memref<64x10240xf32, #tpu.memory_space<vmem>>, vector<64x128xf32>
    %transpose3A_843 = tpu.transpose %get3A_842, [1, 0] : vector<64x128xf32> -> vector<128x64xf32>
    %concatenate3A_844 = tpu.concatenate %transpose3A_839, %transpose3A_843 in 1 : vector<128x64xf32>, vector<128x64xf32> -> vector<128x128xf32>
    %swap3A_845 = arith.constant 8960 : index
    %swap3A_846 = arith.constant 0 : index
    %swap3A_847 = vector.load %arg3[%swap3A_845, %swap3A_846] : memref<10240x128xf32, #tpu.memory_space<vmem>>, vector<128x128xf32>
    tpu.vector_store %arg3[%swap3A_845, %swap3A_846], %concatenate3A_844 {strides = array<i32>} : memref<10240x128xf32, #tpu.memory_space<vmem>>, vector<128x128xf32>,
    %get3A_848 = arith.constant 0 : index
    %get3A_849 = arith.constant 9088 : index
    %get3A_850 = vector.load %arg1[%get3A_848, %get3A_849] : memref<64x10240xf32, #tpu.memory_space<vmem>>, vector<64x128xf32>
    %transpose3A_851 = tpu.transpose %get3A_850, [1, 0] : vector<64x128xf32> -> vector<128x64xf32>
    %get3A_852 = arith.constant 0 : index
    %get3A_853 = arith.constant 9088 : index
    %get3A_854 = vector.load %arg2[%get3A_852, %get3A_853] : memref<64x10240xf32, #tpu.memory_space<vmem>>, vector<64x128xf32>
    %transpose3A_855 = tpu.transpose %get3A_854, [1, 0] : vector<64x128xf32> -> vector<128x64xf32>
    %concatenate3A_856 = tpu.concatenate %transpose3A_851, %transpose3A_855 in 1 : vector<128x64xf32>, vector<128x64xf32> -> vector<128x128xf32>
    %swap3A_857 = arith.constant 9088 : index
    %swap3A_858 = arith.constant 0 : index
    %swap3A_859 = vector.load %arg3[%swap3A_857, %swap3A_858] : memref<10240x128xf32, #tpu.memory_space<vmem>>, vector<128x128xf32>
    tpu.vector_store %arg3[%swap3A_857, %swap3A_858], %concatenate3A_856 {strides = array<i32>} : memref<10240x128xf32, #tpu.memory_space<vmem>>, vector<128x128xf32>,
    %get3A_860 = arith.constant 0 : index
    %get3A_861 = arith.constant 9216 : index
    %get3A_862 = vector.load %arg1[%get3A_860, %get3A_861] : memref<64x10240xf32, #tpu.memory_space<vmem>>, vector<64x128xf32>
    %transpose3A_863 = tpu.transpose %get3A_862, [1, 0] : vector<64x128xf32> -> vector<128x64xf32>
    %get3A_864 = arith.constant 0 : index
    %get3A_865 = arith.constant 9216 : index
    %get3A_866 = vector.load %arg2[%get3A_864, %get3A_865] : memref<64x10240xf32, #tpu.memory_space<vmem>>, vector<64x128xf32>
    %transpose3A_867 = tpu.transpose %get3A_866, [1, 0] : vector<64x128xf32> -> vector<128x64xf32>
    %concatenate3A_868 = tpu.concatenate %transpose3A_863, %transpose3A_867 in 1 : vector<128x64xf32>, vector<128x64xf32> -> vector<128x128xf32>
    %swap3A_869 = arith.constant 9216 : index
    %swap3A_870 = arith.constant 0 : index
    %swap3A_871 = vector.load %arg3[%swap3A_869, %swap3A_870] : memref<10240x128xf32, #tpu.memory_space<vmem>>, vector<128x128xf32>
    tpu.vector_store %arg3[%swap3A_869, %swap3A_870], %concatenate3A_868 {strides = array<i32>} : memref<10240x128xf32, #tpu.memory_space<vmem>>, vector<128x128xf32>,
    %get3A_872 = arith.constant 0 : index
    %get3A_873 = arith.constant 9344 : index
    %get3A_874 = vector.load %arg1[%get3A_872, %get3A_873] : memref<64x10240xf32, #tpu.memory_space<vmem>>, vector<64x128xf32>
    %transpose3A_875 = tpu.transpose %get3A_874, [1, 0] : vector<64x128xf32> -> vector<128x64xf32>
    %get3A_876 = arith.constant 0 : index
    %get3A_877 = arith.constant 9344 : index
    %get3A_878 = vector.load %arg2[%get3A_876, %get3A_877] : memref<64x10240xf32, #tpu.memory_space<vmem>>, vector<64x128xf32>
    %transpose3A_879 = tpu.transpose %get3A_878, [1, 0] : vector<64x128xf32> -> vector<128x64xf32>
    %concatenate3A_880 = tpu.concatenate %transpose3A_875, %transpose3A_879 in 1 : vector<128x64xf32>, vector<128x64xf32> -> vector<128x128xf32>
    %swap3A_881 = arith.constant 9344 : index
    %swap3A_882 = arith.constant 0 : index
    %swap3A_883 = vector.load %arg3[%swap3A_881, %swap3A_882] : memref<10240x128xf32, #tpu.memory_space<vmem>>, vector<128x128xf32>
    tpu.vector_store %arg3[%swap3A_881, %swap3A_882], %concatenate3A_880 {strides = array<i32>} : memref<10240x128xf32, #tpu.memory_space<vmem>>, vector<128x128xf32>,
    %get3A_884 = arith.constant 0 : index
    %get3A_885 = arith.constant 9472 : index
    %get3A_886 = vector.load %arg1[%get3A_884, %get3A_885] : memref<64x10240xf32, #tpu.memory_space<vmem>>, vector<64x128xf32>
    %transpose3A_887 = tpu.transpose %get3A_886, [1, 0] : vector<64x128xf32> -> vector<128x64xf32>
    %get3A_888 = arith.constant 0 : index
    %get3A_889 = arith.constant 9472 : index
    %get3A_890 = vector.load %arg2[%get3A_888, %get3A_889] : memref<64x10240xf32, #tpu.memory_space<vmem>>, vector<64x128xf32>
    %transpose3A_891 = tpu.transpose %get3A_890, [1, 0] : vector<64x128xf32> -> vector<128x64xf32>
    %concatenate3A_892 = tpu.concatenate %transpose3A_887, %transpose3A_891 in 1 : vector<128x64xf32>, vector<128x64xf32> -> vector<128x128xf32>
    %swap3A_893 = arith.constant 9472 : index
    %swap3A_894 = arith.constant 0 : index
    %swap3A_895 = vector.load %arg3[%swap3A_893, %swap3A_894] : memref<10240x128xf32, #tpu.memory_space<vmem>>, vector<128x128xf32>
    tpu.vector_store %arg3[%swap3A_893, %swap3A_894], %concatenate3A_892 {strides = array<i32>} : memref<10240x128xf32, #tpu.memory_space<vmem>>, vector<128x128xf32>,
    %get3A_896 = arith.constant 0 : index
    %get3A_897 = arith.constant 9600 : index
    %get3A_898 = vector.load %arg1[%get3A_896, %get3A_897] : memref<64x10240xf32, #tpu.memory_space<vmem>>, vector<64x128xf32>
    %transpose3A_899 = tpu.transpose %get3A_898, [1, 0] : vector<64x128xf32> -> vector<128x64xf32>
    %get3A_900 = arith.constant 0 : index
    %get3A_901 = arith.constant 9600 : index
    %get3A_902 = vector.load %arg2[%get3A_900, %get3A_901] : memref<64x10240xf32, #tpu.memory_space<vmem>>, vector<64x128xf32>
    %transpose3A_903 = tpu.transpose %get3A_902, [1, 0] : vector<64x128xf32> -> vector<128x64xf32>
    %concatenate3A_904 = tpu.concatenate %transpose3A_899, %transpose3A_903 in 1 : vector<128x64xf32>, vector<128x64xf32> -> vector<128x128xf32>
    %swap3A_905 = arith.constant 9600 : index
    %swap3A_906 = arith.constant 0 : index
    %swap3A_907 = vector.load %arg3[%swap3A_905, %swap3A_906] : memref<10240x128xf32, #tpu.memory_space<vmem>>, vector<128x128xf32>
    tpu.vector_store %arg3[%swap3A_905, %swap3A_906], %concatenate3A_904 {strides = array<i32>} : memref<10240x128xf32, #tpu.memory_space<vmem>>, vector<128x128xf32>,
    %get3A_908 = arith.constant 0 : index
    %get3A_909 = arith.constant 9728 : index
    %get3A_910 = vector.load %arg1[%get3A_908, %get3A_909] : memref<64x10240xf32, #tpu.memory_space<vmem>>, vector<64x128xf32>
    %transpose3A_911 = tpu.transpose %get3A_910, [1, 0] : vector<64x128xf32> -> vector<128x64xf32>
    %get3A_912 = arith.constant 0 : index
    %get3A_913 = arith.constant 9728 : index
    %get3A_914 = vector.load %arg2[%get3A_912, %get3A_913] : memref<64x10240xf32, #tpu.memory_space<vmem>>, vector<64x128xf32>
    %transpose3A_915 = tpu.transpose %get3A_914, [1, 0] : vector<64x128xf32> -> vector<128x64xf32>
    %concatenate3A_916 = tpu.concatenate %transpose3A_911, %transpose3A_915 in 1 : vector<128x64xf32>, vector<128x64xf32> -> vector<128x128xf32>
    %swap3A_917 = arith.constant 9728 : index
    %swap3A_918 = arith.constant 0 : index
    %swap3A_919 = vector.load %arg3[%swap3A_917, %swap3A_918] : memref<10240x128xf32, #tpu.memory_space<vmem>>, vector<128x128xf32>
    tpu.vector_store %arg3[%swap3A_917, %swap3A_918], %concatenate3A_916 {strides = array<i32>} : memref<10240x128xf32, #tpu.memory_space<vmem>>, vector<128x128xf32>,
    %get3A_920 = arith.constant 0 : index
    %get3A_921 = arith.constant 9856 : index
    %get3A_922 = vector.load %arg1[%get3A_920, %get3A_921] : memref<64x10240xf32, #tpu.memory_space<vmem>>, vector<64x128xf32>
    %transpose3A_923 = tpu.transpose %get3A_922, [1, 0] : vector<64x128xf32> -> vector<128x64xf32>
    %get3A_924 = arith.constant 0 : index
    %get3A_925 = arith.constant 9856 : index
    %get3A_926 = vector.load %arg2[%get3A_924, %get3A_925] : memref<64x10240xf32, #tpu.memory_space<vmem>>, vector<64x128xf32>
    %transpose3A_927 = tpu.transpose %get3A_926, [1, 0] : vector<64x128xf32> -> vector<128x64xf32>
    %concatenate3A_928 = tpu.concatenate %transpose3A_923, %transpose3A_927 in 1 : vector<128x64xf32>, vector<128x64xf32> -> vector<128x128xf32>
    %swap3A_929 = arith.constant 9856 : index
    %swap3A_930 = arith.constant 0 : index
    %swap3A_931 = vector.load %arg3[%swap3A_929, %swap3A_930] : memref<10240x128xf32, #tpu.memory_space<vmem>>, vector<128x128xf32>
    tpu.vector_store %arg3[%swap3A_929, %swap3A_930], %concatenate3A_928 {strides = array<i32>} : memref<10240x128xf32, #tpu.memory_space<vmem>>, vector<128x128xf32>,
    %get3A_932 = arith.constant 0 : index
    %get3A_933 = arith.constant 9984 : index
    %get3A_934 = vector.load %arg1[%get3A_932, %get3A_933] : memref<64x10240xf32, #tpu.memory_space<vmem>>, vector<64x128xf32>
    %transpose3A_935 = tpu.transpose %get3A_934, [1, 0] : vector<64x128xf32> -> vector<128x64xf32>
    %get3A_936 = arith.constant 0 : index
    %get3A_937 = arith.constant 9984 : index
    %get3A_938 = vector.load %arg2[%get3A_936, %get3A_937] : memref<64x10240xf32, #tpu.memory_space<vmem>>, vector<64x128xf32>
    %transpose3A_939 = tpu.transpose %get3A_938, [1, 0] : vector<64x128xf32> -> vector<128x64xf32>
    %concatenate3A_940 = tpu.concatenate %transpose3A_935, %transpose3A_939 in 1 : vector<128x64xf32>, vector<128x64xf32> -> vector<128x128xf32>
    %swap3A_941 = arith.constant 9984 : index
    %swap3A_942 = arith.constant 0 : index
    %swap3A_943 = vector.load %arg3[%swap3A_941, %swap3A_942] : memref<10240x128xf32, #tpu.memory_space<vmem>>, vector<128x128xf32>
    tpu.vector_store %arg3[%swap3A_941, %swap3A_942], %concatenate3A_940 {strides = array<i32>} : memref<10240x128xf32, #tpu.memory_space<vmem>>, vector<128x128xf32>,
    %get3A_944 = arith.constant 0 : index
    %get3A_945 = arith.constant 10112 : index
    %get3A_946 = vector.load %arg1[%get3A_944, %get3A_945] : memref<64x10240xf32, #tpu.memory_space<vmem>>, vector<64x128xf32>
    %transpose3A_947 = tpu.transpose %get3A_946, [1, 0] : vector<64x128xf32> -> vector<128x64xf32>
    %get3A_948 = arith.constant 0 : index
    %get3A_949 = arith.constant 10112 : index
    %get3A_950 = vector.load %arg2[%get3A_948, %get3A_949] : memref<64x10240xf32, #tpu.memory_space<vmem>>, vector<64x128xf32>
    %transpose3A_951 = tpu.transpose %get3A_950, [1, 0] : vector<64x128xf32> -> vector<128x64xf32>
    %concatenate3A_952 = tpu.concatenate %transpose3A_947, %transpose3A_951 in 1 : vector<128x64xf32>, vector<128x64xf32> -> vector<128x128xf32>
    %swap3A_953 = arith.constant 10112 : index
    %swap3A_954 = arith.constant 0 : index
    %swap3A_955 = vector.load %arg3[%swap3A_953, %swap3A_954] : memref<10240x128xf32, #tpu.memory_space<vmem>>, vector<128x128xf32>
    tpu.vector_store %arg3[%swap3A_953, %swap3A_954], %concatenate3A_952 {strides = array<i32>} : memref<10240x128xf32, #tpu.memory_space<vmem>>, vector<128x128xf32>,
    return
  }
  func.func @transform_0(%arg0: i32) -> (i32, i32) {
    %c0_i32 = arith.constant 0 : i32
    %c0_i32_0 = arith.constant 0 : i32
    return %c0_i32, %arg0 : i32, i32
  }
  func.func @transform_1(%arg0: i32) -> (i32, i32) {
    %add3A = arith.constant 50 : i32
    %add3A_0 = arith.addi %arg0, %add3A : i32
    %min3A = arith.constant 97 : i32
    %min3A_1 = arith.minsi %add3A_0, %min3A : i32
    %c0_i32 = arith.constant 0 : i32
    %c0_i32_2 = arith.constant 0 : i32
    return %c0_i32, %min3A_1 : i32, i32
  }
  func.func @transform_2(%arg0: i32) -> (i32, i32) {
    %c0_i32 = arith.constant 0 : i32
    %c0_i32_0 = arith.constant 0 : i32
    return %arg0, %c0_i32 : i32, i32
  }
}

module attributes {stable_mosaic.version = 14 : i64} {
  func.func @_mlp_body(%arg0: i32, %arg1: memref<512x64xf32, #tpu.memory_space<vmem>>, %arg2: memref<64x128xf32, #tpu.memory_space<vmem>>, %arg3: memref<1x128xf32, #tpu.memory_space<vmem>>, %arg4: memref<128x128xf32, #tpu.memory_space<vmem>>, %arg5: memref<1x128xf32, #tpu.memory_space<vmem>>, %arg6: memref<512x128xf32, #tpu.memory_space<vmem>>) attributes {dimension_semantics = [#tpu.dimension_semantics<arbitrary>], iteration_bounds = array<i64: 8>, scalar_prefetch = 0 : i64, scratch_operands = 0 : i64, tpu.core_type = #tpu.core_type<tc>, window_params = [{transform_indices = @transform_0, window_bounds = array<i64: 512, 64>}, {pipeline_mode = #tpu.pipeline_mode<synchronous>, transform_indices = @transform_1, window_bounds = array<i64: 64, 128>}, {pipeline_mode = #tpu.pipeline_mode<synchronous>, transform_indices = @transform_2, window_bounds = array<i64: 1, 128>}, {pipeline_mode = #tpu.pipeline_mode<synchronous>, transform_indices = @transform_3, window_bounds = array<i64: 128, 128>}, {pipeline_mode = #tpu.pipeline_mode<synchronous>, transform_indices = @transform_4, window_bounds = array<i64: 1, 128>}, {transform_indices = @transform_5, window_bounds = array<i64: 512, 128>}]} {
    %get3A = arith.constant 0 : index
    %get3A_0 = arith.constant 0 : index
    %get3A_1 = vector.load %arg1[%get3A, %get3A_0] : memref<512x64xf32, #tpu.memory_space<vmem>>, vector<512x64xf32>
    %mul3A = arith.constant 5.000000e-03 : f32
    %mul3A_2 = vector.broadcast %mul3A : f32 to vector<512x64xf32>
    %mul3A_3 = arith.mulf %get3A_1, %mul3A_2 : vector<512x64xf32>
    %get3A_4 = arith.constant 0 : index
    %get3A_5 = arith.constant 0 : index
    %get3A_6 = vector.load %arg2[%get3A_4, %get3A_5] : memref<64x128xf32, #tpu.memory_space<vmem>>, vector<64x128xf32>
    %dot_general3A = arith.constant dense<0.000000e+00> : vector<512x128xf32>
    %dot_general3A_7 = tpu.matmul %mul3A_3, %get3A_6, %dot_general3A {dimension_numbers = #tpu.dot_dimension_numbers<[1], [0], [0], [1], [0, 0, 1, 1], [], []>, transpose_lhs_hint = false} : vector<512x64xf32>, vector<64x128xf32>, vector<512x128xf32> -> vector<512x128xf32>
    %get3A_8 = arith.constant 0 : index
    %get3A_9 = arith.constant 0 : index
    %get3A_10 = vector.load %arg3[%get3A_8, %get3A_9] : memref<1x128xf32, #tpu.memory_space<vmem>>, vector<1x128xf32>
    %add3A = vector.broadcast %get3A_10 : vector<1x128xf32> to vector<512x128xf32>
    %add3A_11 = arith.addf %dot_general3A_7, %add3A : vector<512x128xf32>
    %max3A = arith.constant 0.000000e+00 : f32
    %max3A_12 = vector.broadcast %max3A : f32 to vector<512x128xf32>
    %max3A_13 = arith.maximumf %add3A_11, %max3A_12 : vector<512x128xf32>
    %get3A_14 = arith.constant 0 : index
    %get3A_15 = arith.constant 0 : index
    %get3A_16 = vector.load %arg4[%get3A_14, %get3A_15] : memref<128x128xf32, #tpu.memory_space<vmem>>, vector<128x128xf32>
    %dot_general3A_17 = arith.constant dense<0.000000e+00> : vector<512x128xf32>
    %dot_general3A_18 = tpu.matmul %max3A_13, %get3A_16, %dot_general3A_17 {dimension_numbers = #tpu.dot_dimension_numbers<[1], [0], [0], [1], [0, 0, 1, 1], [], []>, transpose_lhs_hint = false} : vector<512x128xf32>, vector<128x128xf32>, vector<512x128xf32> -> vector<512x128xf32>
    %get3A_19 = arith.constant 0 : index
    %get3A_20 = arith.constant 0 : index
    %get3A_21 = vector.load %arg5[%get3A_19, %get3A_20] : memref<1x128xf32, #tpu.memory_space<vmem>>, vector<1x128xf32>
    %add3A_22 = vector.broadcast %get3A_21 : vector<1x128xf32> to vector<512x128xf32>
    %add3A_23 = arith.addf %dot_general3A_18, %add3A_22 : vector<512x128xf32>
    %swap3A = arith.constant 0 : index
    %swap3A_24 = arith.constant 0 : index
    %swap3A_25 = vector.load %arg6[%swap3A, %swap3A_24] : memref<512x128xf32, #tpu.memory_space<vmem>>, vector<512x128xf32>
    tpu.vector_store %arg6[%swap3A, %swap3A_24], %add3A_23 {strides = array<i32>} : memref<512x128xf32, #tpu.memory_space<vmem>>, vector<512x128xf32>,
    return
  }
  func.func @transform_0(%arg0: i32) -> (i32, i32) {
    %c0_i32 = arith.constant 0 : i32
    %c0_i32_0 = arith.constant 0 : i32
    return %arg0, %c0_i32 : i32, i32
  }
  func.func @transform_1(%arg0: i32) -> (i32, i32) {
    %c0_i32 = arith.constant 0 : i32
    %c0_i32_0 = arith.constant 0 : i32
    %c0_i32_1 = arith.constant 0 : i32
    return %c0_i32, %c0_i32_0 : i32, i32
  }
  func.func @transform_2(%arg0: i32) -> (i32, i32) {
    %c0_i32 = arith.constant 0 : i32
    %c0_i32_0 = arith.constant 0 : i32
    %c0_i32_1 = arith.constant 0 : i32
    return %c0_i32, %c0_i32_0 : i32, i32
  }
  func.func @transform_3(%arg0: i32) -> (i32, i32) {
    %c0_i32 = arith.constant 0 : i32
    %c0_i32_0 = arith.constant 0 : i32
    %c0_i32_1 = arith.constant 0 : i32
    return %c0_i32, %c0_i32_0 : i32, i32
  }
  func.func @transform_4(%arg0: i32) -> (i32, i32) {
    %c0_i32 = arith.constant 0 : i32
    %c0_i32_0 = arith.constant 0 : i32
    %c0_i32_1 = arith.constant 0 : i32
    return %c0_i32, %c0_i32_0 : i32, i32
  }
  func.func @transform_5(%arg0: i32) -> (i32, i32) {
    %c0_i32 = arith.constant 0 : i32
    %c0_i32_0 = arith.constant 0 : i32
    return %arg0, %c0_i32 : i32, i32
  }
}

</mosaic_0001>

<sc_bundles>
// kernel: kernel.5.cloned.1.call-start
scs
__scs_entry_jumppad:
0x0: {  	(pc) =	sbr.rel $0x88, $3  }
0x1: {  	(tag) =	ssettag $0x0;
	lr =	simm.s32 $0x1  }
0x2: {  	[smem:$0x3F9B] =	sst lr;
	_ =	strace $0xD0000000  }
0x3: {  	_ = 	snop  }
0x4: {  	_ = 	snop  }
0x5: {  	_ = 	snop  }
0x6: {  	_ = 	snop  }
0x7: {  	_ = 	snop  }
__scs_overlays_trampoline_lowered:
0x8: {  	[smem:$0x3FAA] =	sst s0  }
0x9: {  	[smem:$0x3FAB] =	sst s1  }
0xa: {  	[smem:$0x3FAC] =	sst s2  }
0xb: {  	[smem:$0x3FAD] =	sst s3  }
0xc: {  	[smem:$0x3FAE] =	sst s4  }
0xd: {  	[smem:$0x3FAF] =	sst s5  }
0xe: {  	[smem:$0x3FB0] =	sst s6  }
0xf: {  	[smem:$0x3FB1] =	sst s7  }
0x10: {  	[smem:$0x3FB2] =	sst s8  }
0x11: {  	[smem:$0x3FB3] =	sst s9;
	s0 =	simm.s32 @!p0 $0x0  }
0x12: {  	s1 =	sld [smem:$0x3F99];
	s0 =	simm.s32 @p0 $0x1  }
0x13: {  	[smem:$0x3FB4] =	sst s0;
	s0 =	simm.s32 @!p1 $0x0  }
0x14: {  	s2 =	sld [smem:$0x3F98];
	s0 =	simm.s32 @p1 $0x1  }
0x15: {  	[smem:$0x3FB5] =	sst s0;
	s0 =	simm.s32 @!p2 $0x0  }
0x16: {  	s3 =	sld [smem:$0x3FDB];
	s0 =	simm.s32 @p2 $0x1  }
0x17: {  	s4 =	simm.s32 $0x1BF5;
	[smem:$0x3FB7] =	sst s0  }
0x18: {  	s0 =	sld [smem:$0x3F9A];
	_ =	swait.ge [sflag:s4], $0x0  }
0x19: {  	s7 =	sld [smem:$0x3F9B]  }
0x1a: {  	s8 =	sadd.s32 $0xFFFFE003, lr  }
0x1b: {  	s9 =	sadd.s32 $0xFFFFFEF7, lr;
	s5 =	simm.s32 $0xFFFFFFFF;
	p2 =	slt.u32 s8, $0xFFFFF086  }
0x1c: {  	p1 =	slt.u32 s9, $0xF7A;
	s5 =	simm.s32 @!p2 $0x0  }
0x1d: {  	s5 =	simm.s32 @p1 $0x1;
	p0 =	seq.s32 s7, s2  }
0x1e: {  	s7 =	smul.u32 @!p0 $0xF7A, s2;
	p2 =	seq.s32 @!p0 s5, $0x0  }
0x1f: {  	s9 =	smul.u32 $0xF7A, s1;
	s8 =	simm.s32 @!p0 $0x1BF5;
	p2 =	por !p2, p0  }
0x20: {  	[sflag:s8] =	ssyncset.s32 @!p0 $0xFFFFF086;
	s6 =	sadd.s32 @!p0 s3, s7;
	s7 =	simm.s32 @!p0 $0x108  }
0x21: {  	s3 =	sadd.s32 s3, s9;
	s6 =	sadd.s32 @!p0 $0x88, s6;
	s7 =	simm.s32 @p2 $0x1082  }
0x22: {  	[simem:s7], [sflag:s8] =	dma.local @!p0 [hbm:s6], $0xF7A  }
0x23: {  	s9 =	sor.u32 $0xD0000000, s2;
	s6 =	simm.s32 $0x108;
	_ =	swait.ge @!p0 [sflag:s8], $0x0  }
0x24: {  	s3 =	sadd.s32 $0x88, s3;
	s6 =	simm.s32 @!p1 $0x1082;
	[sflag:s4] =	ssyncset.s32 $0xFFFFF086  }
0x25: {  	[simem:s6], [sflag:s4] =	dma.local [hbm:s3], $0xF7A  }
0x26: {  	[smem:$0x3F9B] =	sst s1;
	(tag) =	ssettag s2;
	_ =	strace s9  }
0x27: {  	s1 =	sld [smem:$0x3FAB]  }
0x28: {  	s2 =	sld [smem:$0x3FAC]  }
0x29: {  	s4 =	sld [smem:$0x3FAE]  }
0x2a: {  	p0 =	seq.s32 s5, $0x0;
	s5 =	sld [smem:$0x3FAF]  }
0x2b: {  	s6 =	sld [smem:$0x3FB0]  }
0x2c: {  	s7 =	sld [smem:$0x3FB1]  }
0x2d: {  	s3 =	simm.s32 $0x108;
	s8 =	sld [smem:$0x3FB2]  }
0x2e: {  	s3 =	simm.s32 @!p0 $0x1082;
	s9 =	sld [smem:$0x3FB3]  }
0x2f: {  	lr =	sadd.s32 s0, s3;
	s0 =	sld [smem:$0x3FAA]  }
0x30: {  	s3 =	sld [smem:$0x3FAD]  }
0x31: {  	[smem:$0x3FB6] =	sst s10  }
0x32: {  	s10 =	sld [smem:$0x3FB4];
	_ =	sdelay $0x3  }
0x33: {  	p0 =	seq.s32 s10, $0x1;
	s10 =	sld [smem:$0x3FB6];
	_ =	sdelay $0x3  }
0x34: {  	[smem:$0x3FB6] =	sst s10  }
0x35: {  	s10 =	sld [smem:$0x3FB5];
	_ =	sdelay $0x3  }
0x36: {  	p1 =	seq.s32 s10, $0x1;
	s10 =	sld [smem:$0x3FB6];
	_ =	sdelay $0x3  }
0x37: {  	[smem:$0x3FB6] =	sst s10  }
0x38: {  	s10 =	sld [smem:$0x3FB7]  }
0x39: {  	_ = 	snop;
	(pc) =	sbr.ind lr, $3  }
0x3a: {  	_ = 	snop  }
0x3b: {  	_ = 	snop  }
0x3c: {  	p2 =	seq.s32 s10, $0x1;
	s10 =	sld [smem:$0x3FB6]  }
0x3d: {  	_ =	shalt  }
0x3e: {  	_ =	shalt  }
0x3f: {  	_ =	shalt  }
0x40: {  	_ =	shalt  }
0x41: {  	_ =	shalt  }
0x42: {  	_ =	shalt  }
0x43: {  	_ =	shalt  }
0x44: {  	_ =	shalt  }
0x45: {  	_ =	shalt  }
0x46: {  	_ =	shalt  }
0x47: {  	_ =	shalt  }
0x48: {  	_ =	shalt  }
0x49: {  	_ =	shalt  }
0x4a: {  	_ =	shalt  }
0x4b: {  	_ =	shalt  }
0x4c: {  	_ =	shalt  }
0x4d: {  	_ =	shalt  }
0x4e: {  	_ =	shalt  }
0x4f: {  	_ =	shalt  }
0x50: {  	_ =	shalt  }
0x51: {  	_ =	shalt  }
0x52: {  	_ =	shalt  }
0x53: {  	_ =	shalt  }
0x54: {  	_ =	shalt  }
0x55: {  	_ =	shalt  }
0x56: {  	_ =	shalt  }
0x57: {  	_ =	shalt  }
0x58: {  	_ =	shalt  }
0x59: {  	_ =	shalt  }
0x5a: {  	_ =	shalt  }
0x5b: {  	_ =	shalt  }
0x5c: {  	_ =	shalt  }
0x5d: {  	_ =	shalt  }
0x5e: {  	_ =	shalt  }
0x5f: {  	_ =	shalt  }
0x60: {  	_ =	shalt  }
0x61: {  	_ =	shalt  }
0x62: {  	_ =	shalt  }
0x63: {  	_ =	shalt  }
0x64: {  	_ =	shalt  }
0x65: {  	_ =	shalt  }
0x66: {  	_ =	shalt  }
0x67: {  	_ =	shalt  }
0x68: {  	_ =	shalt  }
0x69: {  	_ =	shalt  }
0x6a: {  	_ =	shalt  }
0x6b: {  	_ =	shalt  }
0x6c: {  	_ =	shalt  }
0x6d: {  	_ =	shalt  }
0x6e: {  	_ =	shalt  }
0x6f: {  	_ =	shalt  }
0x70: {  	_ =	shalt  }
0x71: {  	_ =	shalt  }
0x72: {  	_ =	shalt  }
0x73: {  	_ =	shalt  }
0x74: {  	_ =	shalt  }
0x75: {  	_ =	shalt  }
0x76: {  	_ =	shalt  }
0x77: {  	_ =	shalt  }
0x78: {  	_ =	shalt  }
0x79: {  	_ =	shalt  }
0x7a: {  	_ =	shalt  }
0x7b: {  	_ =	shalt  }
0x7c: {  	_ =	shalt  }
0x7d: {  	_ =	shalt  }
0x7e: {  	_ =	shalt  }
0x7f: {  	_ =	shalt  }
0x80: {  	_ =	shalt  }
0x81: {  	_ =	shalt  }
0x82: {  	_ =	shalt  }
0x83: {  	_ =	shalt  }
0x84: {  	_ =	shalt  }
0x85: {  	_ =	shalt  }
0x86: {  	_ =	shalt  }
0x87: {  	_ =	shalt  }
.Lfunc_end0:
.L_simem_size_0:
called_computation_lowered:
.L_overlay_start_0:
0x88: {  	s2 =	sld [smem:$0x3FD9]  }
0x89: {  	s3 =	sld [smem:$0x3FFE];
	_ =	sdelay $0x1  }
0x8a: {  	s1 =	srdreg.scid  }
0x8b: {  	s0 =	sand.u32 $0x1, s1  }
0x8c: {  	s16 =	sshll.u32 s0, $0xA;
	s2 =	sadd.s32 s3, s2  }
0x8d: {  	s2 =	sadd.s32 s2, s16  }
0x8e: {  	[smem:$0x3FC2] =	sst s2  }
0x8f: {  	_ = 	snop  }
0x90: {  	(tm) =	ssettm $0x1  }
0x91: {  	s17 =	sld [smem:$0x3FFB];
	_ =	sdelay $0x3  }
0x92: {  	_ =	strace s17  }
0x93: {  	s2 =	sld [smem:$0x3FFC];
	_ =	sdelay $0x3  }
0x94: {  	_ =	strace s2  }
0x95: {  	s2 =	sld [smem:$0x3FFD];
	_ =	sdelay $0x3  }
0x96: {  	_ =	strace s2  }
0x97: {  	_ =	strace $0x8FFFFFFF  }
0x98: {  	s18 =	sld [smem:$0x3FDB];
	_ =	sdelay $0x1  }
0x99: {  	s19 =	simm.s32 $_scs_section_size  }
0x9a: {  	s4 =	simm.s32 $_size__tile_overlayer_lowered;
	s5 =	simm.s32 $_tile_overlayer_lowered  }
0x9b: {  	s22 =	simm.s32 $0x1BFF;
	s21 =	sshll.u32 s5, $0x1;
	s2 =	sadd.s32 s19, s18  }
0x9c: {  	s6 =	simm.s32 $0x0;
	s20 =	sshll.u32 s4, $0x1;
	s4 =	sadd.s32 s21, s2  }
0x9d: {  	[timem:s6], [sflag:s22] =	dma.local [hbm:s4], s20  }
0x9e: {  	_ =	swait.ge [sflag:s22], s20  }
0x9f: {  	s3 =	ssub.s32 $0x0, s20;
	[sflag:s22] =	ssyncset.done $0x0  }
0xa0: {  	[sflag:s22] =	ssyncadd.s32 s3;
	_ =	sdelay $0x1  }
0xa1: {  	s23 =	simm.s32 $0x1B8B  }
0xa2: {  	_ =	swait.ge [sflag:s23], $0x1  }
0xa3: {  	[sflag:s23] =	ssyncset.done $0x0  }
0xa4: {  	s25 =	simm.s32 $0x1B8E;
	s24 =	sld [smem:$0x3FFE];
	[sflag:s23] =	ssyncadd.s32 $0xFFFFFFFF  }
0xa5: {  	s26 =	simm.s32 $execute0_lowered;
	[smem:$0x3FD2] =	sst s25  }
0xa6: {  	s4 =	sshll.u32 s26, $0x1;
	_ =	strace $0x80000046;
	[dreg:$0x1] =	wrdreg $0xFFFFFFFF  }
0xa7: {  	s28 =	simm.s32 $_size_execute0_lowered;
	s2 =	sadd.s32 s2, s4;
	[dreg:$0x0] =	wrdreg $0x0  }
0xa8: {  	s4 =	sshll.u32 s28, $0x1;
	[dreg:$0x2] =	wrdreg s2  }
0xa9: {  	[dreg:$0x3] =	wrdreg s4  }
0xaa: {  	[dreg:$0x4] =	wrdreg $0xC0  }
0xab: {  	_ =	task [dreg:s6], $0x5FFFF  }
0xac: {  	[dreg:$0x1] =	wrdreg $0xFFFFFFFF  }
0xad: {  	[dreg:$0x0] =	wrdreg $0x60  }
0xae: {  	[dreg:$0x2] =	wrdreg s24  }
0xaf: {  	[dreg:$0x3] =	wrdreg $0x9  }
0xb0: {  	_ =	task.clear_ibuf [dreg:s6], $0x4FFFF;
	_ =	strace $0x90000046  }
0xb1: {  	s29 =	simm.s32 $0x9;
	_ =	strace $0x80000048  }
0xb2: {  	_ =	swait.ge [sflag:s29], $0x1  }
0xb3: {  	[sflag:s29] =	ssyncadd.s32 $0xFFFFFFFF  }
0xb4: {  	_ =	strace $0x90000048  }
0xb5: {  	_ =	sfence  }
0xb6: {  	s30 =	sld [smem:$0x0];
	_ =	sdelay $0x2  }
0xb7: {  	s31 =	sshll.u32 s1, $0xD;
	s1 =	sshrl.u32 s1, $0x2  }
0xb8: {  	s3 =	sand.u32 $0x4000, s31;
	s1 =	sadd.s32 s1, s30  }
0xb9: {  	s0 =	sor.u32 s3, s0;
	s1 =	sshll.u32 s1, $0x11  }
0xba: {  	s0 =	sor.u32 s1, s0  }
0xbb: {  	s0 =	sadd.s32 $0x8F2B, s0  }
0xbc: {  	[sflag:s0] =	ssyncadd.remote.s32 $0x1  }
0xbd: {  	_ =	sfence.sel $0xFFFF  }
0xbe: {  	[dreg:$0x0] =	wrdreg $0xFFFFFFFF;
	(pc) =	sbr.abs _section_cstart, $3  }
0xbf: {  	[dreg:$0x1] =	wrdreg $0xFFFFFFFF  }
0xc0: {  	_ =	task.clear_ibuf [dreg:s6], $0x2FFFF;
	_ =	strace $0x9FFFFFFF  }
0xc1: {  	(tm) =	ssettm $0x7FFFFFFF  }
tec
execute0_lowered:
.L_overlay_start_1:
0x0: {  	(tag) =	ssettag $0x1  }
0x1: {  	s0 =	srdreg.scid  }
0x2: {  	s2 =	stileid.u32;
	s1 =	rddreg [dreg:$0x0]  }
0x3: {  	s13 =	simm.s32 $0x9;
	s14 =	simm.s32 $0x64;
	s24 =	simm.s32 $0x11E00  }
0x4: {  	s25 =	simm.s32 $0x15168;
	s28 =	simm.s32 $0x5;
	s29 =	simm.s32 $0x2  }
0x5: {  	s30 =	simm.s32 $0x6;
	s31 =	simm.s32 $0x3;
	s15 =	simm.s32 $0x8  }
0x6: {  	s17 =	simm.s32 $0x0;
	s0 =	sand.u32 $0x1, s0;
	s3 =	sshll.u32 s2, $0x1  }
0x7: {  	s2 =	simm.s32 $0x0;
	s4 =	sadd.s32 $0x34A00, s1;
	s6 =	sor.u32 s0, s3  }
0x8: {  	[smem:$0x7FF] =	sst s2;
	s3 =	sadd.s32 $0xA00, s1;
	s0 =	ssub.s32 $0x2, s0  }
0x9: {  	s5 =	smul.u32 $0xD00, s6;
	_ =	strace $0x80000047;
	s9 =	sshrl.u32 s0, $0x1  }
0xa: {  	s8 =	sshll.u32 s6, $0xA;
	s6 =	sshll.u32 s6, $0x8;
	s0 =	ssub.s32 s0, s9  }
.Ltmp0:
0xb: {  	s7 =	sadd.s32 s5, s1;
	s1 =	sadd.s32 s8, s1;
	(pc) =	sbr.rel .LBB2_1-.Ltmp0, $4  }
0xc: {  	s5 =	sadd.s32 s3, s5;
	s12 =	smax.u32 s0, $0x1;
	s0 =	simm.s32 $0x4  }
0xd: {  	s7 =	sadd.s32 $0x1AA00, s7;
	s26 =	sadd.s32 $0xD, s5;
	s9 =	sadd.s32 $0x1A, s5  }
0xe: {  	s10 =	sadd.s32 $0x27, s5;
	s11 =	sadd.s32 $0x804A00, s1;
	[dreg:$0x2] =	wrdreg s7  }
0xf: {  	s1 =	simm.s32 $0x7;
	[dreg:$0x3] =	wrdreg s26;
	s26 =	simm.s32 $0x1  }
.LBB2_12:
0x10: {  	[tilespmem:s20+$0x6840] =	vst v3  }
0x11: {  	[tilespmem:s20+$0x6850] =	vst v2;
	s17 =	sadd.s32 $0x1, s17  }
0x12: {  	[tilespmem:s20+$0x6860] =	vst v1;
	p0 =	sne.s32 s17, s12  }
.Ltmp1:
0x13: {  	[tilespmem:s20+$0x6870] =	vst v0;
	s7 =	simm.s32 $0x6800;
	(pc) =	sbr.rel @!p0 .LBB2_13-.Ltmp1, $4  }
0x14: {  	[hbm4b:s11+s2] =	stream.linear.scatter [tilespmem:s7], [sflag:$0x9], $0x2000, $0x38;
	[tilespmem:$0x151E0] =	vst v63  }
0x15: {  	_ =	swait.ge [sflag:s13], $0x2000  }
0x16: {  	[sflag:s13] =	ssyncset.done $0x0  }
0x17: {  	[sflag:s13] =	ssyncadd.s32 $0xFFFFE000  }
.LBB2_1:
0x18: {  	s7 =	rddreg [dreg:$0x2]  }
0x19: {  	[tilespmem:s2], [sflag:$0x9] =	stream.linear.gather [hbm4b:s7+s2], $0x6800, $0x38;
	[tilespmem:$0x151E0] =	vst v63  }
0x1a: {  	_ =	swait.ge [sflag:s13], $0x6800  }
0x1b: {  	[sflag:s13] =	ssyncset.done $0x0  }
0x1c: {  	s23 =	simm.s32 $0x8800;
	[sflag:s13] =	ssyncadd.s32 $0xFFFF9800  }
0x1d: {  	[tilespmem:s23], [sflag:$0x1] =	stream.indirect.gather [hbm4b:s4+s14], $0x80, s2, s14, $0xb8;
	[tilespmem:$0x151E0] =	vst v63  }
0x1e: {  	s8 =	simm.s32 $0x15000  }
0x1f: {  	[tilespmem:s8], [sflag:$0x5] =	stream.linear.gather [hbm4b:s5+s2], $0x64, $0x38;
	[tilespmem:$0x151E0] =	vst v63  }
0x20: {  	s16 =	simm.s32 $0x68;
	s8 =	simm.s32 $0xBA00  }
0x21: {  	[tilespmem:s8], [sflag:$0x2] =	stream.indirect.gather [hbm4b:s4+s14], $0x80, s16, s14, $0xb8;
	[tilespmem:$0x151E0] =	vst v63  }
0x22: {  	s19 =	simm.s32 $0x15078;
	s18 =	rddreg [dreg:$0x3]  }
0x23: {  	[tilespmem:s19], [sflag:$0x6] =	stream.linear.gather [hbm4b:s18+s2], $0x64, $0x38;
	[tilespmem:$0x151E0] =	vst v63  }
0x24: {  	s20 =	simm.s32 $0xD0;
	s21 =	simm.s32 $0xEC00  }
0x25: {  	[tilespmem:s21], [sflag:$0x3] =	stream.indirect.gather [hbm4b:s4+s14], $0x80, s20, s14, $0xb8;
	[tilespmem:$0x151E0] =	vst v63  }
0x26: {  	s22 =	simm.s32 $0x150F0  }
0x27: {  	[tilespmem:s22], [sflag:$0x7] =	stream.linear.gather [hbm4b:s9+s2], $0x64, $0x38;
	[tilespmem:$0x151E0] =	vst v63  }
0x28: {  	s23 =	simm.s32 $0x138  }
0x29: {  	[tilespmem:s24], [sflag:$0x4] =	stream.indirect.gather [hbm4b:s4+s14], $0x80, s23, s14, $0xb8;
	[tilespmem:$0x151E0] =	vst v63  }
0x2a: {  	s18 =	simm.s32 $0x0  }
0x2b: {  	[tilespmem:s25], [sflag:$0x8] =	stream.linear.gather [hbm4b:s10+s2], $0x64, $0x38;
	[tilespmem:$0x151E0] =	vst v63  }
.LBB2_2:
0x2c: {  	_ =	swait.ge [sflag:s26], $0x3200  }
0x2d: {  	[sflag:s26] =	ssyncset.done $0x0  }
0x2e: {  	[sflag:s26] =	ssyncadd.s32 $0xFFFFCE00  }
0x2f: {  	_ =	swait.ge [sflag:s28], $0x64  }
0x30: {  	[sflag:s28] =	ssyncset.done $0x0  }
0x31: {  	s7 =	simm.s32 $0x0;
	[sflag:s28] =	ssyncadd.s32 $0xFFFFFF9C  }
0x32: {  	v0 =	vld [tilespmem:s7+$0x15000];
	_ =	sdelay $0x3  }
0x33: {  	s21 =	simm.s32 $0x1  }
0x34: {  	(v2sf) =	vpush v0, $0x0;
	v0 =	vld [tilespmem:s21+$0x15000];
	_ =	sdelay $0x4  }
0x35: {  	(v2sf) =	vpush v0, $0x0;
	_ =	sdelay $0x1  }
0x36: {  	s22 =	simm.s32 $0x2  }
0x37: {  	v0 =	vld [tilespmem:s22+$0x15000];
	_ =	sdelay $0x4  }
0x38: {  	(v2sf) =	vpush v0, $0x0  }
0x39: {  	s19 =	simm.s32 $0x3  }
0x3a: {  	s8 =	simm.s32 $0x4;
	v2 =	vld [tilespmem:s19+$0x15000]  }
0x3b: {  	v3 =	vld [tilespmem:s8+$0x15000];
	s23 =	spop (v2sf)  }
0x3c: {  	s16 =	sand.u32 $0x7, s23;
	s7 =	sshll.u32 s23, $0x2  }
0x3d: {  	s7 =	sand.u32 $0xFFFFFFE0, s7;
	s16 =	sshll.u32 s16, $0x2  }
0x3e: {  	s7 =	sor.u32 s16, s7  }
0x3f: {  	s7 =	sshra.s32 s7, $0x2;
	s19 =	spop (v2sf);
	(v2sf) =	vpush v2, $0x0  }
0x40: {  	s7 =	sadd.s32 $0x8800, s7;
	(v2sf) =	vpush v3, $0x0  }
0x41: {  	v4 =	vld [tilespmem:s7+$0x30]  }
0x42: {  	s20 =	sand.u32 $0x7, s19;
	s16 =	sshll.u32 s19, $0x2;
	v6 =	vld [tilespmem:s7+$0x0]  }
0x43: {  	v8 =	vld [tilespmem:s7+$0x10];
	s16 =	sand.u32 $0xFFFFFFE0, s16;
	s19 =	sshll.u32 s20, $0x2  }
0x44: {  	s16 =	sor.u32 s19, s16  }
0x45: {  	s21 =	simm.s32 $0x5;
	v1 =	vld [tilespmem:s7+$0x20];
	s22 =	sshra.s32 s16, $0x2  }
0x46: {  	v7 =	vld [tilespmem:s21+$0x15000];
	v0 =	vimm.f32 $0.0e+00;
	s19 =	sadd.s32 $0x8880, s22  }
0x47: {  	s21 =	simm.s32 $0x18;
	s23 =	spop (v2sf);
	v2 =	vadd.f32 v4, v0;
	v5 =	vld [tilespmem:s19+$0x30]  }
0x48: {  	s20 =	simm.s32 $0x8880;
	v3 =	vadd.f32 v6, v0;
	s22 =	sand.u32 $0x7, s23;
	s16 =	sshll.u32 s23, $0x2;
	v6 =	vld [tilespmem:s19+$0x0];
	v4 =	vadd.f32 v8, v0  }
.LBB2_3:
0x49: {  	s7 =	sshra.s32 s21, $0x2  }
0x4a: {  	s16 =	sand.u32 $0xFFFFFFE0, s16;
	s22 =	sshll.u32 s22, $0x2;
	v8 =	vld [tilespmem:s19+$0x10];
	v0 =	vadd.f32 v1, v0;
	p0 =	sne.s32 s21, $0x18C  }
.Ltmp2:
0x4b: {  	s21 =	sadd.s32 $0x4, s21;
	(v2sf) =	vpush v7, $0x0;
	s16 =	sor.u32 s22, s16;
	v1 =	vld [tilespmem:s19+$0x20];
	(pc) =	sbr.rel @p0 .LBB2_3-.Ltmp2, $4  }
0x4c: {  	s20 =	sadd.s32 $0x80, s20;
	v7 =	vld [tilespmem:s7+$0x15000];
	s7 =	sshra.s32 s16, $0x2  }
0x4d: {  	s19 =	sadd.s32 s7, s20;
	v2 =	vadd.f32 v5, v2  }
0x4e: {  	s7 =	spop (v2sf);
	v5 =	vld [tilespmem:s19+$0x30];
	v3 =	vadd.f32 v6, v3  }
0x4f: {  	s22 =	sand.u32 $0x7, s7;
	s16 =	sshll.u32 s7, $0x2;
	v6 =	vld [tilespmem:s19+$0x0];
	v4 =	vadd.f32 v8, v4  }
0x50: {  	_ = 	snop  }
0x51: {  	(v2sf) =	vpush v7, $0x0;
	_ =	sdelay $0x4  }
0x52: {  	s7 =	sand.u32 $0xFFFFFFE0, s16;
	s23 =	sshll.u32 s22, $0x2  }
0x53: {  	s7 =	sor.u32 s23, s7  }
0x54: {  	s8 =	spop (v2sf);
	s20 =	sadd.s32 $0x80, s20;
	v8 =	vld [tilespmem:s19+$0x20];
	s7 =	sshra.s32 s7, $0x2  }
0x55: {  	v7 =	vld [tilespmem:s19+$0x10];
	s21 =	sand.u32 $0x7, s8;
	s16 =	sshll.u32 s8, $0x2;
	s7 =	sadd.s32 s7, s20  }
0x56: {  	s16 =	sand.u32 $0xFFFFFFE0, s16;
	s21 =	sshll.u32 s21, $0x2;
	v9 =	vld [tilespmem:s7+$0x30]  }
0x57: {  	s16 =	sor.u32 s21, s16;
	v10 =	vld [tilespmem:s7+$0x0]  }
0x58: {  	s20 =	sadd.s32 $0x80, s20;
	s16 =	sshra.s32 s16, $0x2;
	v11 =	vld [tilespmem:s7+$0x10];
	s22 =	spop (v2sf)  }
0x59: {  	v12 =	vld [tilespmem:s7+$0x20];
	s8 =	sadd.s32 s16, s20;
	s23 =	sand.u32 $0x7, s22;
	s19 =	sshll.u32 s22, $0x2  }
0x5a: {  	v13 =	vld [tilespmem:s8+$0x30];
	s19 =	sand.u32 $0xFFFFFFE0, s19;
	s21 =	sshll.u32 s23, $0x2  }
0x5b: {  	v14 =	vld [tilespmem:s8+$0x0];
	s16 =	sor.u32 s21, s19  }
0x5c: {  	s20 =	sadd.s32 $0x80, s20;
	v15 =	vld [tilespmem:s8+$0x10];
	s16 =	sshra.s32 s16, $0x2;
	s22 =	spop (v2sf)  }
0x5d: {  	v16 =	vld [tilespmem:s8+$0x20];
	s8 =	sadd.s32 s16, s20;
	s23 =	sand.u32 $0x7, s22;
	s19 =	sshll.u32 s22, $0x2  }
0x5e: {  	v17 =	vld [tilespmem:s8+$0x30];
	s22 =	sand.u32 $0xFFFFFFE0, s19;
	s23 =	sshll.u32 s23, $0x2  }
0x5f: {  	p0 =	seq.s32 s18, $0x3F;
	v18 =	vld [tilespmem:s8+$0x0];
	s16 =	sor.u32 s23, s22  }
0x60: {  	s20 =	sadd.s32 $0x80, s20;
	v19 =	vld [tilespmem:s8+$0x10];
	s19 =	sshll.u32 s18, $0x2;
	s16 =	sshra.s32 s16, $0x2  }
0x61: {  	v20 =	vld [tilespmem:s8+$0x20];
	s8 =	sadd.s32 s16, s20;
	s16 =	sadd.s32 @!p0 $0x4, s19  }
0x62: {  	v21 =	vld [tilespmem:s8+$0x30];
	s20 =	smul.u32 @!p0 $0x1A0, s16  }
0x63: {  	s7 =	simm.s32 @!p0 $0x64;
	v22 =	vld [tilespmem:s8+$0x0];
	s16 =	sadd.s32 @!p0 s6, s16  }
0x64: {  	s21 =	simm.s32 @!p0 $0x8800;
	v23 =	vld [tilespmem:s8+$0x10];
	s16 =	smul.u32 @!p0 $0xD, s16;
	s20 =	sshra.s32 @!p0 s20, $0x2  }
0x65: {  	v24 =	vld [tilespmem:s8+$0x20];
	[tilespmem:s21], [sflag:$0x1] =	stream.indirect.gather @!p0 [hbm4b:s4+s7], $0x80, s20, s7, $0xb8  }
0x66: {  	s7 =	sadd.s32 @!p0 s3, s16;
	s16 =	simm.s32 @!p0 $0x0;
	s20 =	simm.s32 @!p0 $0x15000  }
0x67: {  	[tilespmem:s20], [sflag:$0x5] =	stream.linear.gather @!p0 [hbm4b:s7+s16], $0x64, $0x38;
	[tilespmem:$0x151E0] =	vst v63  }
0x68: {  	_ =	swait.ge [sflag:s29], $0x3200  }
0x69: {  	[sflag:s29] =	ssyncset.done $0x0  }
0x6a: {  	[sflag:s29] =	ssyncadd.s32 $0xFFFFCE00  }
0x6b: {  	_ =	swait.ge [sflag:s30], $0x64  }
0x6c: {  	[sflag:s30] =	ssyncset.done $0x0  }
0x6d: {  	s16 =	simm.s32 $0x0;
	[sflag:s30] =	ssyncadd.s32 $0xFFFFFF9C  }
0x6e: {  	v25 =	vld [tilespmem:s16+$0x15078];
	_ =	sdelay $0x2  }
0x6f: {  	s20 =	simm.s32 $0x1  }
0x70: {  	v58 =	vld [tilespmem:s20+$0x15078]  }
0x71: {  	(v2sf) =	vpush v25, $0x0;
	_ =	sdelay $0x3  }
0x72: {  	(v2sf) =	vpush v58, $0x0;
	_ =	sdelay $0x1  }
0x73: {  	s21 =	simm.s32 $0x2  }
0x74: {  	v59 =	vld [tilespmem:s21+$0x15078];
	_ =	sdelay $0x4  }
0x75: {  	(v2sf) =	vpush v59, $0x0  }
0x76: {  	v0 =	vadd.f32 v1, v0;
	v1 =	vadd.f32 v5, v2;
	s8 =	simm.s32 $0x3  }
0x77: {  	v2 =	vadd.f32 v6, v3;
	v3 =	vadd.f32 v7, v4;
	v4 =	vld [tilespmem:s8+$0x15078];
	s20 =	simm.s32 $0x4  }
0x78: {  	v5 =	vld [tilespmem:s20+$0x15078];
	s22 =	spop (v2sf)  }
0x79: {  	s23 =	sand.u32 $0x7, s22;
	s7 =	sshll.u32 s22, $0x2  }
0x7a: {  	v0 =	vadd.f32 v8, v0;
	s7 =	sand.u32 $0xFFFFFFE0, s7;
	s16 =	sshll.u32 s23, $0x2  }
0x7b: {  	v1 =	vadd.f32 v9, v1;
	v2 =	vadd.f32 v10, v2;
	s7 =	sor.u32 s16, s7  }
0x7c: {  	v3 =	vadd.f32 v11, v3;
	s21 =	spop (v2sf);
	(v2sf) =	vpush v4, $0x0;
	s7 =	sshra.s32 s7, $0x2  }
0x7d: {  	v0 =	vadd.f32 v12, v0;
	(v2sf) =	vpush v5, $0x0;
	s7 =	sadd.s32 $0xBA00, s7  }
0x7e: {  	v1 =	vadd.f32 v13, v1;
	v3 =	vadd.f32 v15, v3;
	v6 =	vld [tilespmem:s7+$0x30]  }
0x7f: {  	v2 =	vadd.f32 v14, v2;
	v0 =	vadd.f32 v16, v0;
	s22 =	sand.u32 $0x7, s21;
	s16 =	sshll.u32 s21, $0x2;
	v8 =	vld [tilespmem:s7+$0x0]  }
0x80: {  	v1 =	vadd.f32 v17, v1;
	v3 =	vadd.f32 v19, v3;
	s20 =	sshll.u32 s22, $0x2;
	s16 =	sand.u32 $0xFFFFFFE0, s16;
	v60 =	vld [tilespmem:s7+$0x10]  }
0x81: {  	v2 =	vadd.f32 v18, v2;
	v0 =	vadd.f32 v20, v0;
	s16 =	sor.u32 s20, s16  }
0x82: {  	v61 =	vadd.f32 v21, v1;
	v63 =	vadd.f32 v23, v3;
	s23 =	simm.s32 $0x5;
	v3 =	vld [tilespmem:s7+$0x20];
	s8 =	sshra.s32 s16, $0x2  }
0x83: {  	v62 =	vadd.f32 v22, v2;
	v7 =	vld [tilespmem:s23+$0x15078];
	s20 =	sadd.s32 $0xBA80, s8  }
0x84: {  	v1 =	vadd.f32 v24, v0;
	s22 =	simm.s32 $0x18;
	s16 =	spop (v2sf);
	v2 =	vld [tilespmem:s20+$0x30];
	v0 =	vadd.f32 v6, v61  }
0x85: {  	s21 =	simm.s32 $0xBA80;
	s23 =	sand.u32 $0x7, s16;
	s16 =	sshll.u32 s16, $0x2;
	v4 =	vadd.f32 v8, v62;
	v6 =	vld [tilespmem:s20+$0x0];
	v5 =	vadd.f32 v60, v63  }
.LBB2_5:
0x86: {  	s7 =	sshra.s32 s22, $0x2  }
0x87: {  	s16 =	sand.u32 $0xFFFFFFE0, s16;
	s23 =	sshll.u32 s23, $0x2;
	v8 =	vld [tilespmem:s20+$0x10];
	v1 =	vadd.f32 v3, v1;
	p1 =	sne.s32 s22, $0x18C  }
.Ltmp3:
0x88: {  	s22 =	sadd.s32 $0x4, s22;
	(v2sf) =	vpush v7, $0x0;
	s16 =	sor.u32 s23, s16;
	v3 =	vld [tilespmem:s20+$0x20];
	(pc) =	sbr.rel @p1 .LBB2_5-.Ltmp3, $4  }
0x89: {  	s21 =	sadd.s32 $0x80, s21;
	v7 =	vld [tilespmem:s7+$0x15078];
	s7 =	sshra.s32 s16, $0x2  }
0x8a: {  	s20 =	sadd.s32 s7, s21;
	v0 =	vadd.f32 v2, v0  }
0x8b: {  	s7 =	spop (v2sf);
	v2 =	vld [tilespmem:s20+$0x30];
	v4 =	vadd.f32 v6, v4  }
0x8c: {  	s23 =	sand.u32 $0x7, s7;
	s16 =	sshll.u32 s7, $0x2;
	v6 =	vld [tilespmem:s20+$0x0];
	v5 =	vadd.f32 v8, v5  }
0x8d: {  	_ = 	snop  }
0x8e: {  	(v2sf) =	vpush v7, $0x0;
	_ =	sdelay $0x4  }
0x8f: {  	s7 =	sand.u32 $0xFFFFFFE0, s16;
	s8 =	sshll.u32 s23, $0x2  }
0x90: {  	s7 =	sor.u32 s8, s7  }
0x91: {  	s22 =	sadd.s32 $0x80, s21;
	s23 =	spop (v2sf);
	v8 =	vld [tilespmem:s20+$0x20];
	s7 =	sshra.s32 s7, $0x2  }
0x92: {  	v7 =	vld [tilespmem:s20+$0x10];
	s8 =	sand.u32 $0x7, s23;
	s21 =	sshll.u32 s23, $0x2;
	s7 =	sadd.s32 s7, s22  }
0x93: {  	s21 =	sand.u32 $0xFFFFFFE0, s21;
	s20 =	sshll.u32 s8, $0x2;
	v9 =	vld [tilespmem:s7+$0x30]  }
0x94: {  	s20 =	sor.u32 s20, s21;
	v10 =	vld [tilespmem:s7+$0x0]  }
0x95: {  	s16 =	sadd.s32 $0x80, s22;
	v11 =	vld [tilespmem:s7+$0x10];
	s20 =	sshra.s32 s20, $0x2;
	s22 =	spop (v2sf)  }
0x96: {  	v12 =	vld [tilespmem:s7+$0x20];
	s23 =	sadd.s32 s20, s16;
	s8 =	sand.u32 $0x7, s22;
	s21 =	sshll.u32 s22, $0x2  }
0x97: {  	v13 =	vld [tilespmem:s23+$0x30];
	s21 =	sand.u32 $0xFFFFFFE0, s21;
	s20 =	sshll.u32 s8, $0x2  }
0x98: {  	v14 =	vld [tilespmem:s23+$0x0];
	s20 =	sor.u32 s20, s21  }
0x99: {  	s16 =	sadd.s32 $0x80, s16;
	v15 =	vld [tilespmem:s23+$0x10];
	s20 =	sshra.s32 s20, $0x2;
	s22 =	spop (v2sf)  }
0x9a: {  	v16 =	vld [tilespmem:s23+$0x20];
	s23 =	sadd.s32 s20, s16;
	s8 =	sand.u32 $0x7, s22;
	s21 =	sshll.u32 s22, $0x2  }
0x9b: {  	v17 =	vld [tilespmem:s23+$0x30];
	s21 =	sand.u32 $0xFFFFFFE0, s21;
	s20 =	sshll.u32 s8, $0x2  }
0x9c: {  	v1 =	vadd.f32 v3, v1;
	v3 =	vadd.f32 v6, v4;
	v18 =	vld [tilespmem:s23+$0x0];
	s20 =	sor.u32 s20, s21  }
0x9d: {  	v5 =	vadd.f32 v7, v5;
	s16 =	sadd.s32 $0x80, s16;
	v19 =	vld [tilespmem:s23+$0x10];
	s20 =	sshra.s32 s20, $0x2  }
0x9e: {  	v1 =	vadd.f32 v8, v1;
	v3 =	vadd.f32 v10, v3;
	v4 =	vld [tilespmem:s23+$0x20];
	s22 =	sadd.s32 s20, s16;
	s16 =	sadd.s32 @!p0 $0x5, s19  }
0x9f: {  	v0 =	vadd.f32 v2, v0;
	v2 =	vadd.f32 v11, v5;
	s20 =	smul.u32 @!p0 $0x1A0, s16;
	v7 =	vld [tilespmem:s22+$0x0]  }
0xa0: {  	s7 =	simm.s32 @!p0 $0x64;
	v1 =	vadd.f32 v12, v1;
	v3 =	vadd.f32 v14, v3;
	s23 =	sshll.u32 s18, $0x7;
	v5 =	vld [tilespmem:s22+$0x10];
	s16 =	sadd.s32 @!p0 s6, s16  }
0xa1: {  	v0 =	vadd.f32 v9, v0;
	v2 =	vadd.f32 v15, v2;
	s21 =	simm.s32 @!p0 $0xBA00;
	v8 =	vld [tilespmem:s22+$0x20];
	s16 =	smul.u32 @!p0 $0xD, s16;
	s20 =	sshra.s32 @!p0 s20, $0x2  }
0xa2: {  	v1 =	vadd.f32 v16, v1;
	v3 =	vadd.f32 v18, v3;
	v6 =	vld [tilespmem:s22+$0x30];
	[tilespmem:s21], [sflag:$0x2] =	stream.indirect.gather @!p0 [hbm4b:s4+s7], $0x80, s20, s7, $0xb8  }
0xa3: {  	v0 =	vadd.f32 v13, v0;
	v2 =	vadd.f32 v19, v2;
	s7 =	sadd.s32 @!p0 s3, s16;
	s16 =	simm.s32 @!p0 $0x0;
	s20 =	simm.s32 @!p0 $0x15078  }
0xa4: {  	v1 =	vadd.f32 v4, v1;
	[tilespmem:s20], [sflag:$0x6] =	stream.linear.gather @!p0 [hbm4b:s7+s16], $0x64, $0x38;
	v3 =	vadd.f32 v7, v3;
	[tilespmem:$0x151E0] =	vst v63  }
0xa5: {  	v0 =	vadd.f32 v17, v0;
	v2 =	vadd.f32 v5, v2;
	s20 =	sand.u32 $0x3FFFFF80, s23  }
0xa6: {  	v1 =	vadd.f32 v8, v1;
	[tilespmem:s20+$0x6800] =	vst v3  }
0xa7: {  	v0 =	vadd.f32 v6, v0;
	[tilespmem:s20+$0x6810] =	vst v2  }
0xa8: {  	[tilespmem:s20+$0x6820] =	vst v1  }
0xa9: {  	[tilespmem:s20+$0x6830] =	vst v0  }
0xaa: {  	_ =	swait.ge [sflag:s31], $0x3200  }
0xab: {  	[sflag:s31] =	ssyncset.done $0x0  }
0xac: {  	[sflag:s31] =	ssyncadd.s32 $0xFFFFCE00  }
0xad: {  	_ =	swait.ge [sflag:s1], $0x64  }
0xae: {  	[sflag:s1] =	ssyncset.done $0x0  }
0xaf: {  	s8 =	simm.s32 $0x0;
	[sflag:s1] =	ssyncadd.s32 $0xFFFFFF9C  }
0xb0: {  	v0 =	vld [tilespmem:s8+$0x150F0];
	_ =	sdelay $0x4  }
0xb1: {  	s16 =	simm.s32 $0x1;
	(v2sf) =	vpush v0, $0x0  }
0xb2: {  	v0 =	vld [tilespmem:s16+$0x150F0];
	_ =	sdelay $0x4  }
0xb3: {  	(v2sf) =	vpush v0, $0x0;
	_ =	sdelay $0x1  }
0xb4: {  	s21 =	simm.s32 $0x2  }
0xb5: {  	v0 =	vld [tilespmem:s21+$0x150F0];
	_ =	sdelay $0x4  }
0xb6: {  	(v2sf) =	vpush v0, $0x0  }
0xb7: {  	s8 =	simm.s32 $0x3;
	s22 =	spop (v2sf)  }
0xb8: {  	v2 =	vld [tilespmem:s8+$0x150F0];
	s23 =	sand.u32 $0x7, s22;
	s7 =	sshll.u32 s22, $0x2;
	s22 =	simm.s32 $0x4  }
0xb9: {  	v3 =	vld [tilespmem:s22+$0x150F0];
	_ =	sdelay $0x1  }
0xba: {  	s7 =	sand.u32 $0xFFFFFFE0, s7;
	s16 =	sshll.u32 s23, $0x2  }
0xbb: {  	s7 =	sor.u32 s16, s7  }
0xbc: {  	s7 =	sshra.s32 s7, $0x2;
	s23 =	spop (v2sf);
	(v2sf) =	vpush v2, $0x0  }
0xbd: {  	s7 =	sadd.s32 $0xEC00, s7;
	(v2sf) =	vpush v3, $0x0  }
0xbe: {  	v4 =	vld [tilespmem:s7+$0x30]  }
0xbf: {  	s8 =	sand.u32 $0x7, s23;
	s16 =	sshll.u32 s23, $0x2;
	v6 =	vld [tilespmem:s7+$0x0]  }
0xc0: {  	v8 =	vld [tilespmem:s7+$0x10];
	s16 =	sand.u32 $0xFFFFFFE0, s16;
	s21 =	sshll.u32 s8, $0x2  }
0xc1: {  	s16 =	sor.u32 s21, s16  }
0xc2: {  	s22 =	simm.s32 $0x5;
	v1 =	vld [tilespmem:s7+$0x20];
	s23 =	sshra.s32 s16, $0x2  }
0xc3: {  	v0 =	vimm.f32 $0.0e+00;
	v7 =	vld [tilespmem:s22+$0x150F0];
	s21 =	sadd.s32 $0xEC80, s23  }
0xc4: {  	s22 =	simm.s32 $0xEC80;
	s8 =	spop (v2sf);
	v2 =	vadd.f32 v4, v0;
	v5 =	vld [tilespmem:s21+$0x30]  }
0xc5: {  	s23 =	simm.s32 $0x18;
	v3 =	vadd.f32 v6, v0;
	s16 =	sand.u32 $0x7, s8;
	s7 =	sshll.u32 s8, $0x2;
	v6 =	vld [tilespmem:s21+$0x0];
	v4 =	vadd.f32 v8, v0  }
.LBB2_7:
0xc6: {  	s8 =	sshra.s32 s23, $0x2  }
0xc7: {  	s7 =	sand.u32 $0xFFFFFFE0, s7;
	s16 =	sshll.u32 s16, $0x2;
	v8 =	vld [tilespmem:s21+$0x10];
	v0 =	vadd.f32 v1, v0;
	p1 =	sne.s32 s23, $0x18C  }
.Ltmp4:
0xc8: {  	s23 =	sadd.s32 $0x4, s23;
	(v2sf) =	vpush v7, $0x0;
	s7 =	sor.u32 s16, s7;
	v1 =	vld [tilespmem:s21+$0x20];
	(pc) =	sbr.rel @p1 .LBB2_7-.Ltmp4, $4  }
0xc9: {  	s22 =	sadd.s32 $0x80, s22;
	v7 =	vld [tilespmem:s8+$0x150F0];
	s7 =	sshra.s32 s7, $0x2  }
0xca: {  	s21 =	sadd.s32 s7, s22;
	v2 =	vadd.f32 v5, v2  }
0xcb: {  	s7 =	spop (v2sf);
	v5 =	vld [tilespmem:s21+$0x30];
	v3 =	vadd.f32 v6, v3  }
0xcc: {  	s16 =	sand.u32 $0x7, s7;
	s7 =	sshll.u32 s7, $0x2;
	v6 =	vld [tilespmem:s21+$0x0];
	v4 =	vadd.f32 v8, v4  }
0xcd: {  	_ = 	snop  }
0xce: {  	(v2sf) =	vpush v7, $0x0;
	_ =	sdelay $0x5  }
0xcf: {  	s7 =	sand.u32 $0xFFFFFFE0, s7;
	s8 =	sshll.u32 s16, $0x2  }
0xd0: {  	s7 =	sor.u32 s8, s7  }
0xd1: {  	v8 =	vld [tilespmem:s21+$0x20];
	s8 =	sadd.s32 $0x80, s22;
	s22 =	spop (v2sf);
	s7 =	sshra.s32 s7, $0x2  }
0xd2: {  	v7 =	vld [tilespmem:s21+$0x10];
	s23 =	sand.u32 $0x7, s22;
	s16 =	sshll.u32 s22, $0x2;
	s7 =	sadd.s32 s7, s8  }
0xd3: {  	s16 =	sand.u32 $0xFFFFFFE0, s16;
	s21 =	sshll.u32 s23, $0x2;
	v9 =	vld [tilespmem:s7+$0x30]  }
0xd4: {  	v10 =	vld [tilespmem:s7+$0x0];
	s16 =	sor.u32 s21, s16  }
0xd5: {  	s8 =	sadd.s32 $0x80, s8;
	v11 =	vld [tilespmem:s7+$0x10];
	s16 =	sshra.s32 s16, $0x2;
	s21 =	spop (v2sf)  }
0xd6: {  	v12 =	vld [tilespmem:s7+$0x20];
	s22 =	sadd.s32 s16, s8;
	s23 =	sand.u32 $0x7, s21;
	s21 =	sshll.u32 s21, $0x2  }
0xd7: {  	v13 =	vld [tilespmem:s22+$0x30];
	s21 =	sand.u32 $0xFFFFFFE0, s21;
	s16 =	sshll.u32 s23, $0x2  }
0xd8: {  	s8 =	sadd.s32 $0x80, s8;
	v14 =	vld [tilespmem:s22+$0x0];
	s16 =	sor.u32 s16, s21;
	s21 =	spop (v2sf)  }
0xd9: {  	v15 =	vld [tilespmem:s22+$0x10];
	s16 =	sshra.s32 s16, $0x2;
	s23 =	sand.u32 $0x7, s21;
	s21 =	sshll.u32 s21, $0x2  }
0xda: {  	v16 =	vld [tilespmem:s22+$0x20];
	s22 =	sadd.s32 s16, s8;
	s21 =	sand.u32 $0xFFFFFFE0, s21;
	s16 =	sshll.u32 s23, $0x2  }
0xdb: {  	v17 =	vld [tilespmem:s22+$0x30];
	s16 =	sor.u32 s16, s21  }
0xdc: {  	s8 =	sadd.s32 $0x80, s8;
	v18 =	vld [tilespmem:s22+$0x0];
	s16 =	sshra.s32 s16, $0x2  }
0xdd: {  	v19 =	vld [tilespmem:s22+$0x10];
	s21 =	sadd.s32 s16, s8  }
0xde: {  	s8 =	sadd.s32 @!p0 $0x6, s19;
	v21 =	vld [tilespmem:s21+$0x30]  }
0xdf: {  	s16 =	smul.u32 @!p0 $0x1A0, s8;
	v22 =	vld [tilespmem:s21+$0x0]  }
0xe0: {  	s7 =	simm.s32 @!p0 $0x64;
	v23 =	vld [tilespmem:s21+$0x10];
	s8 =	sadd.s32 @!p0 s6, s8  }
0xe1: {  	v24 =	vld [tilespmem:s21+$0x20];
	s21 =	simm.s32 @!p0 $0xEC00;
	s8 =	smul.u32 @!p0 $0xD, s8;
	s16 =	sshra.s32 @!p0 s16, $0x2  }
0xe2: {  	v20 =	vld [tilespmem:s22+$0x20];
	[tilespmem:s21], [sflag:$0x3] =	stream.indirect.gather @!p0 [hbm4b:s4+s7], $0x80, s16, s7, $0xb8  }
0xe3: {  	s7 =	sadd.s32 @!p0 s3, s8;
	s8 =	simm.s32 @!p0 $0x0;
	s16 =	simm.s32 @!p0 $0x150F0  }
0xe4: {  	[tilespmem:s16], [sflag:$0x7] =	stream.linear.gather @!p0 [hbm4b:s7+s8], $0x64, $0x38;
	[tilespmem:$0x151E0] =	vst v63  }
0xe5: {  	_ =	swait.ge [sflag:s0], $0x3200  }
0xe6: {  	[sflag:s0] =	ssyncset.done $0x0  }
0xe7: {  	[sflag:s0] =	ssyncadd.s32 $0xFFFFCE00  }
0xe8: {  	_ =	swait.ge [sflag:s15], $0x64  }
0xe9: {  	[sflag:s15] =	ssyncset.done $0x0  }
0xea: {  	s22 =	simm.s32 $0x0;
	[sflag:s15] =	ssyncadd.s32 $0xFFFFFF9C  }
0xeb: {  	v25 =	vld [tilespmem:s22+$0x15168];
	_ =	sdelay $0x2  }
0xec: {  	s23 =	simm.s32 $0x1  }
0xed: {  	v59 =	vld [tilespmem:s23+$0x15168]  }
0xee: {  	(v2sf) =	vpush v25, $0x0;
	_ =	sdelay $0x3  }
0xef: {  	(v2sf) =	vpush v59, $0x0;
	_ =	sdelay $0x1  }
0xf0: {  	s8 =	simm.s32 $0x2  }
0xf1: {  	v60 =	vld [tilespmem:s8+$0x15168];
	_ =	sdelay $0x4  }
0xf2: {  	(v2sf) =	vpush v60, $0x0  }
0xf3: {  	v0 =	vadd.f32 v1, v0;
	v1 =	vadd.f32 v5, v2;
	s22 =	simm.s32 $0x3  }
0xf4: {  	v2 =	vadd.f32 v6, v3;
	v3 =	vadd.f32 v7, v4;
	s23 =	simm.s32 $0x4;
	v4 =	vld [tilespmem:s22+$0x15168]  }
0xf5: {  	v5 =	vld [tilespmem:s23+$0x15168];
	s16 =	spop (v2sf)  }
0xf6: {  	s21 =	sand.u32 $0x7, s16;
	s7 =	sshll.u32 s16, $0x2  }
0xf7: {  	v0 =	vadd.f32 v8, v0;
	s7 =	sand.u32 $0xFFFFFFE0, s7;
	s8 =	sshll.u32 s21, $0x2  }
0xf8: {  	v1 =	vadd.f32 v9, v1;
	v2 =	vadd.f32 v10, v2;
	s7 =	sor.u32 s8, s7  }
0xf9: {  	v3 =	vadd.f32 v11, v3;
	s16 =	spop (v2sf);
	(v2sf) =	vpush v4, $0x0;
	s7 =	sshra.s32 s7, $0x2  }
0xfa: {  	v0 =	vadd.f32 v12, v0;
	(v2sf) =	vpush v5, $0x0;
	s7 =	sadd.s32 $0x11E00, s7  }
0xfb: {  	v1 =	vadd.f32 v13, v1;
	v2 =	vadd.f32 v14, v2;
	v6 =	vld [tilespmem:s7+$0x30]  }
0xfc: {  	v3 =	vadd.f32 v15, v3;
	v0 =	vadd.f32 v16, v0;
	s21 =	sand.u32 $0x7, s16;
	s8 =	sshll.u32 s16, $0x2;
	v8 =	vld [tilespmem:s7+$0x0]  }
0xfd: {  	v1 =	vadd.f32 v17, v1;
	v2 =	vadd.f32 v18, v2;
	s16 =	sshll.u32 s21, $0x2;
	s8 =	sand.u32 $0xFFFFFFE0, s8;
	v61 =	vld [tilespmem:s7+$0x10]  }
0xfe: {  	v3 =	vadd.f32 v19, v3;
	v0 =	vadd.f32 v20, v0;
	s8 =	sor.u32 s16, s8  }
0xff: {  	v1 =	vadd.f32 v21, v1;
	v62 =	vadd.f32 v22, v2;
	s22 =	simm.s32 $0x5;
	v2 =	vld [tilespmem:s7+$0x20];
	s23 =	sshra.s32 s8, $0x2  }
0x100: {  	v63 =	vadd.f32 v23, v3;
	v7 =	vld [tilespmem:s22+$0x15168];
	s21 =	sadd.s32 $0x11E80, s23  }
0x101: {  	v0 =	vadd.f32 v24, v0;
	s22 =	simm.s32 $0x11E80;
	s8 =	spop (v2sf);
	v5 =	vld [tilespmem:s21+$0x30];
	v1 =	vadd.f32 v6, v1  }
0x102: {  	s23 =	simm.s32 $0x18;
	s16 =	sand.u32 $0x7, s8;
	s7 =	sshll.u32 s8, $0x2;
	v3 =	vadd.f32 v8, v62;
	v6 =	vld [tilespmem:s21+$0x0];
	v4 =	vadd.f32 v61, v63  }
.LBB2_9:
0x103: {  	s8 =	sshra.s32 s23, $0x2  }
0x104: {  	s7 =	sand.u32 $0xFFFFFFE0, s7;
	s16 =	sshll.u32 s16, $0x2;
	v8 =	vld [tilespmem:s21+$0x10];
	v0 =	vadd.f32 v2, v0;
	p1 =	sne.s32 s23, $0x18C  }
.Ltmp5:
0x105: {  	s23 =	sadd.s32 $0x4, s23;
	(v2sf) =	vpush v7, $0x0;
	s7 =	sor.u32 s16, s7;
	v2 =	vld [tilespmem:s21+$0x20];
	(pc) =	sbr.rel @p1 .LBB2_9-.Ltmp5, $4  }
0x106: {  	s22 =	sadd.s32 $0x80, s22;
	v7 =	vld [tilespmem:s8+$0x15168];
	s7 =	sshra.s32 s7, $0x2  }
0x107: {  	s21 =	sadd.s32 s7, s22;
	v1 =	vadd.f32 v5, v1  }
0x108: {  	s7 =	spop (v2sf);
	v5 =	vld [tilespmem:s21+$0x30];
	v3 =	vadd.f32 v6, v3  }
0x109: {  	s16 =	sand.u32 $0x7, s7;
	s7 =	sshll.u32 s7, $0x2;
	v6 =	vld [tilespmem:s21+$0x0];
	v4 =	vadd.f32 v8, v4  }
0x10a: {  	_ = 	snop  }
0x10b: {  	(v2sf) =	vpush v7, $0x0;
	_ =	sdelay $0x4  }
0x10c: {  	s7 =	sand.u32 $0xFFFFFFE0, s7;
	s8 =	sshll.u32 s16, $0x2  }
0x10d: {  	s7 =	sor.u32 s8, s7  }
0x10e: {  	v59 =	vld [tilespmem:s21+$0x10];
	s23 =	spop (v2sf);
	s8 =	sadd.s32 $0x80, s22;
	s7 =	sshra.s32 s7, $0x2  }
0x10f: {  	v8 =	vld [tilespmem:s21+$0x20];
	s22 =	sand.u32 $0x7, s23;
	s16 =	sshll.u32 s23, $0x2;
	s7 =	sadd.s32 s7, s8  }
0x110: {  	s16 =	sand.u32 $0xFFFFFFE0, s16;
	s21 =	sshll.u32 s22, $0x2;
	v9 =	vld [tilespmem:s7+$0x30]  }
0x111: {  	s16 =	sor.u32 s21, s16;
	v10 =	vld [tilespmem:s7+$0x0]  }
0x112: {  	s8 =	sadd.s32 $0x80, s8;
	v11 =	vld [tilespmem:s7+$0x10];
	s16 =	sshra.s32 s16, $0x2;
	s21 =	spop (v2sf)  }
0x113: {  	v12 =	vld [tilespmem:s7+$0x20];
	s23 =	sadd.s32 s16, s8;
	s22 =	sand.u32 $0x7, s21;
	s21 =	sshll.u32 s21, $0x2  }
0x114: {  	v13 =	vld [tilespmem:s23+$0x30];
	s21 =	sand.u32 $0xFFFFFFE0, s21;
	s16 =	sshll.u32 s22, $0x2  }
0x115: {  	v14 =	vld [tilespmem:s23+$0x0];
	s16 =	sor.u32 s16, s21  }
0x116: {  	s8 =	sadd.s32 $0x80, s8;
	v15 =	vld [tilespmem:s23+$0x10];
	s16 =	sshra.s32 s16, $0x2;
	s21 =	spop (v2sf)  }
0x117: {  	v16 =	vld [tilespmem:s23+$0x20];
	s23 =	sadd.s32 s16, s8;
	s22 =	sand.u32 $0x7, s21;
	s21 =	sshll.u32 s21, $0x2  }
0x118: {  	v17 =	vld [tilespmem:s23+$0x30];
	s21 =	sand.u32 $0xFFFFFFE0, s21;
	s16 =	sshll.u32 s22, $0x2  }
0x119: {  	v18 =	vld [tilespmem:s23+$0x0];
	s16 =	sor.u32 s16, s21  }
0x11a: {  	v0 =	vadd.f32 v2, v0;
	s8 =	sadd.s32 $0x80, s8;
	v2 =	vld [tilespmem:s23+$0x10];
	s16 =	sshra.s32 s16, $0x2  }
0x11b: {  	v1 =	vadd.f32 v5, v1;
	v3 =	vadd.f32 v6, v3;
	v5 =	vld [tilespmem:s23+$0x20];
	s23 =	sadd.s32 s16, s8  }
0x11c: {  	v4 =	vadd.f32 v59, v4;
	v0 =	vadd.f32 v8, v0;
	v60 =	vld [tilespmem:s23+$0x30]  }
0x11d: {  	v1 =	vadd.f32 v9, v1;
	v3 =	vadd.f32 v10, v3;
	v61 =	vld [tilespmem:s23+$0x0]  }
0x11e: {  	v4 =	vadd.f32 v11, v4;
	v0 =	vadd.f32 v12, v0;
	v62 =	vld [tilespmem:s23+$0x10]  }
0x11f: {  	v1 =	vadd.f32 v13, v1;
	v3 =	vadd.f32 v14, v3;
	v63 =	vld [tilespmem:s23+$0x20]  }
.Ltmp6:
0x120: {  	v4 =	vadd.f32 v15, v4;
	v0 =	vadd.f32 v16, v0;
	(pc) =	sbr.rel @p0 .LBB2_12-.Ltmp6, $4  }
0x121: {  	v1 =	vadd.f32 v17, v1;
	v3 =	vadd.f32 v18, v3  }
0x122: {  	v2 =	vadd.f32 v2, v4;
	v4 =	vadd.f32 v5, v0  }
0x123: {  	v0 =	vadd.f32 v60, v1;
	v3 =	vadd.f32 v61, v3  }
0x124: {  	v2 =	vadd.f32 v62, v2;
	v1 =	vadd.f32 v63, v4  }
0x125: {  	s7 =	sadd.s32 $0x7, s19  }
0x126: {  	s8 =	smul.u32 $0x1A0, s7  }
0x127: {  	s7 =	sadd.s32 s6, s7  }
0x128: {  	s7 =	smul.u32 $0xD, s7;
	s8 =	sshra.s32 s8, $0x2  }
0x129: {  	[tilespmem:s24], [sflag:$0x4] =	stream.indirect.gather [hbm4b:s4+s14], $0x80, s8, s14, $0xb8;
	[tilespmem:$0x151E0] =	vst v63  }
0x12a: {  	s7 =	sadd.s32 s3, s7  }
0x12b: {  	[tilespmem:s25], [sflag:$0x8] =	stream.linear.gather [hbm4b:s7+s2], $0x64, $0x38;
	[tilespmem:$0x151E0] =	vst v63  }
.Ltmp7:
0x12c: {  	_ = 	snop;
	(pc) =	sbr.rel .LBB2_2-.Ltmp7, $4  }
0x12d: {  	[tilespmem:s20+$0x6840] =	vst v3  }
0x12e: {  	[tilespmem:s20+$0x6850] =	vst v2  }
0x12f: {  	[tilespmem:s20+$0x6860] =	vst v1  }
0x130: {  	s18 =	sadd.s32 $0x1, s18;
	[tilespmem:s20+$0x6870] =	vst v0  }
.LBB2_13:
0x131: {  	_ =	sfence.sel $0x180000  }
0x132: {  	[bflag:$0x0] =	sbarrier.arrive $0xFFFF  }
0x133: {  	_ =	strace $0x90000047  }
0x134: {  	s0 =	stileid.u32;
	[bflag:$0x2] =	sbarrier.arrive $0xFFFF  }
0x135: {  	p0 =	sne.s32 s0, $0x0;
	s0 =	rddreg [dreg:$0x1]  }
0x136: {  	s0 =	sadd.s32 @!p0 $0x100000, s0  }
0x137: {  	[sflag:s0] =	ssyncadd.tile.s32 @!p0 $0x1;
	_ =	shalt  }
.Lfunc_end2:
_tile_overlayer_lowered:
.L_overlay_start_2:
0x138: {  	(tag) =	ssettag $0x2  }
0x139: {  	s0 =	rddreg [dreg:$0x0];
	s2 =	stileid.u32  }
0x13a: {  	s1 =	rddreg [dreg:$0x1];
	p0 =	sne.s32 s2, $0x0  }
0x13b: {  	s3 =	rddreg [dreg:$0x2];
	[bflag:$0x3] =	sbarrier.arrive $0xFFFF;
	s2 =	simm.s32 @!p0 $0x1C09  }
0x13c: {  	[timem:s3], [sflag:s2] =	dma.local @!p0 [hbm:s0], s1  }
0x13d: {  	s0 =	simm.s32 @!p0 $0x9  }
0x13e: {  	_ =	swait.ge @!p0 [sflag:s0], s1  }
0x13f: {  	s1 =	ssub.s32 @!p0 $0x0, s1;
	[sflag:s0] =	ssyncset.done @!p0 $0x0  }
0x140: {  	[sflag:s0] =	ssyncadd.s32 @!p0 s1  }
0x141: {  	[bflag:$0x3] =	sbarrier.arrive $0xFFFF  }
0x142: {  	_ =	shalt  }

</sc_bundles>
